<compile_context>
chip_gen: v7x
topology: tpu7x:2x2x1
jax: 0.10.2.dev20260603
libtpu: 0.0.44.dev20260713+nightly
codegen_flags: <defaults>
</compile_context>

<pallas_src>
import functools

import jax
import jax.numpy as jnp
from jax import lax
from jax.experimental import pallas as pl
from jax.experimental.pallas import tpu as pltpu, tpu_sc as plsc

_BATCH = 16384
_TABLE = 1000
_LANES = 16


def _make_kernel():
    info = plsc.get_sparse_core_info()
    nc, ns = 1, info.num_subcores
    nw = nc * ns
    b_per_w = _BATCH // nw

    mesh = plsc.VectorSubcoreMesh(
        core_axis_name="c", subcore_axis_name="s", num_cores=nc
    )

    n_chunks = 4
    cs = b_per_w // n_chunks

    @functools.partial(
        pl.kernel,
        out_type=jax.ShapeDtypeStruct((_BATCH,), jnp.float32),
        mesh=mesh,
        scratch_types=[
            pltpu.VMEM((_TABLE,), jnp.float32),
            pltpu.VMEM((b_per_w,), jnp.int32),
            pltpu.VMEM((b_per_w,), jnp.float32),
            pltpu.SemaphoreType.DMA,
            [pltpu.SemaphoreType.DMA] * n_chunks,
            pltpu.SemaphoreType.DMA,
        ],
        compiler_params=pltpu.CompilerParams(needs_layout_passes=False),
    )
    def beta_gather(
        idx_hbm, betas_hbm, out_hbm, table_v, idx_v, out_v, sem_t, sems_i, sem_o
    ):
        wid = lax.axis_index("s") * nc + lax.axis_index("c")
        base = wid * b_per_w
        cp_t = pltpu.async_copy(betas_hbm, table_v, sem_t)
        cps_i = [
            pltpu.async_copy(
                idx_hbm.at[pl.ds(base + c * cs, cs)],
                idx_v.at[pl.ds(c * cs, cs)],
                sems_i[c],
            )
            for c in range(n_chunks)
        ]
        cp_t.wait()
        cps_o = []
        for c in range(n_chunks):
            cps_i[c].wait()
            for i in range(c * cs // _LANES, (c + 1) * cs // _LANES):
                ids = idx_v[pl.ds(i * _LANES, _LANES)]
                out_v[pl.ds(i * _LANES, _LANES)] = plsc.load_gather(table_v, [ids])
            cps_o.append(
                pltpu.async_copy(
                    out_v.at[pl.ds(c * cs, cs)],
                    out_hbm.at[pl.ds(base + c * cs, cs)],
                    sem_o,
                )
            )
        for cp in cps_o:
            cp.wait()

    return beta_gather


_beta_gather = _make_kernel()


@jax.jit
def kernel(num_steps, betas):
    out = _beta_gather(num_steps, betas)
    return out.reshape((_BATCH, 1))

# --- scband reference (transcript-rebuilt; emitter-appended) ---
"""Pipeline reference for scband-noise-schedule-6270652252793 (READ-ONLY COPY).

The authoritative reference and input builder live on the scoring server;
editing this copy changes nothing except your own understanding.
"""

import jax, jax.numpy as jnp
import numpy as np

MAX_STEPS = 1000
BATCH = 16384
MIN_NOISE = 1e-4
MAX_NOISE = 0.02


def setup_inputs(seed: int = 0) -> dict:
    key = jax.random.key(seed)
    # buffer 'betas' = linear_schedule(max_steps) as in the torch module
    betas = jnp.linspace(MIN_NOISE, MAX_NOISE, MAX_STEPS, dtype=jnp.float32)
    num_steps = jax.random.randint(jax.random.fold_in(key, 1), (BATCH,), 0, MAX_STEPS, dtype=jnp.int32)
    return {"num_steps": num_steps, "betas": betas}


def reference(num_steps, betas):
    # Faithful translation of NoiseSchedule.beta(num_steps):
    #   self.betas[num_steps].reshape((batch_size, -1))
    batch_size = num_steps.shape[0]
    out = jnp.take(betas, num_steps, axis=0).reshape((batch_size, -1))
    return out

if __name__ == "__main__":
    import jax
    _d = setup_inputs()
    print(jax.jit(kernel)(*tuple(_d.values())))

</pallas_src>

<mosaic_0001>
#map = affine_map<(d0, d1) -> (0)>
module attributes {stable_mosaic.version = 14 : i64} {
  func.func @beta_gather(%arg0: i32, %arg1: i32, %arg2: memref<16384xi32, #tpu.memory_space<hbm>>, %arg3: memref<1000xf32, #tpu.memory_space<hbm>>, %arg4: memref<16384xf32, #tpu.memory_space<hbm>>, %arg5: memref<1000xf32, #tpu.memory_space<vmem>>, %arg6: memref<1024xi32, #tpu.memory_space<vmem>>, %arg7: memref<1024xf32, #tpu.memory_space<vmem>>, %arg8: memref<!tpu.dma_semaphore, #tpu.memory_space<semaphore_mem>>, %arg9: memref<!tpu.dma_semaphore, #tpu.memory_space<semaphore_mem>>, %arg10: memref<!tpu.dma_semaphore, #tpu.memory_space<semaphore_mem>>, %arg11: memref<!tpu.dma_semaphore, #tpu.memory_space<semaphore_mem>>, %arg12: memref<!tpu.dma_semaphore, #tpu.memory_space<semaphore_mem>>, %arg13: memref<!tpu.dma_semaphore, #tpu.memory_space<semaphore_mem>>) attributes {dimension_semantics = [#tpu.dimension_semantics<core_parallel>, #tpu.dimension_semantics<subcore_parallel>], iteration_bounds = array<i64: 1, 16>, scalar_prefetch = 0 : i64, scratch_operands = 9 : i64, tpu.core_type = #tpu.core_type<sc_vector_subcore>, window_params = [{transform_indices = #map}, {transform_indices = #map}, {transform_indices = #map}]} {
    %mul3A = arith.constant 1 : i32
    %mul3A_0 = arith.muli %arg1, %mul3A : i32
    %add3A = arith.addi %mul3A_0, %arg0 : i32
    %mul3A_1 = arith.constant 1024 : i32
    %mul3A_2 = arith.muli %add3A, %mul3A_1 : i32
    tpu.enqueue_dma source(%arg3 : memref<1000xf32, #tpu.memory_space<hbm>>) target(%arg5 : memref<1000xf32, #tpu.memory_space<vmem>>) target_semaphore(%arg8 : memref<!tpu.dma_semaphore, #tpu.memory_space<semaphore_mem>>)
    %add3A_3 = arith.constant 0 : i32
    %add3A_4 = arith.addi %mul3A_2, %add3A_3 : i32
    %dma_start3A = arith.constant 0 : i32
    %dma_start3A_5 = tpu.memref_slice %arg6[%dma_start3A] : memref<1024xi32, #tpu.memory_space<vmem>> -> memref<256xi32, #tpu.memory_space<vmem>>
    %dma_start3A_6 = tpu.memref_slice %arg2[%add3A_4] : memref<16384xi32, #tpu.memory_space<hbm>> -> memref<256xi32, #tpu.memory_space<hbm>>
    %dma_start3A_7 = arith.constant 0 : i32
    %dma_start3A_8 = tpu.memref_slice %arg6[%dma_start3A_7] : memref<1024xi32, #tpu.memory_space<vmem>> -> memref<256xi32, #tpu.memory_space<vmem>>
    %dma_start3A_9 = tpu.memref_slice %arg2[%add3A_4] : memref<16384xi32, #tpu.memory_space<hbm>> -> memref<256xi32, #tpu.memory_space<hbm>>
    tpu.enqueue_dma source(%dma_start3A_9 : memref<256xi32, #tpu.memory_space<hbm>>) target(%dma_start3A_8 : memref<256xi32, #tpu.memory_space<vmem>>) target_semaphore(%arg9 : memref<!tpu.dma_semaphore, #tpu.memory_space<semaphore_mem>>)
    %add3A_10 = arith.constant 256 : i32
    %add3A_11 = arith.addi %mul3A_2, %add3A_10 : i32
    %dma_start3A_12 = arith.constant 256 : i32
    %dma_start3A_13 = tpu.memref_slice %arg6[%dma_start3A_12] : memref<1024xi32, #tpu.memory_space<vmem>> -> memref<256xi32, #tpu.memory_space<vmem>>
    %dma_start3A_14 = tpu.memref_slice %arg2[%add3A_11] : memref<16384xi32, #tpu.memory_space<hbm>> -> memref<256xi32, #tpu.memory_space<hbm>>
    %dma_start3A_15 = arith.constant 256 : i32
    %dma_start3A_16 = tpu.memref_slice %arg6[%dma_start3A_15] : memref<1024xi32, #tpu.memory_space<vmem>> -> memref<256xi32, #tpu.memory_space<vmem>>
    %dma_start3A_17 = tpu.memref_slice %arg2[%add3A_11] : memref<16384xi32, #tpu.memory_space<hbm>> -> memref<256xi32, #tpu.memory_space<hbm>>
    tpu.enqueue_dma source(%dma_start3A_17 : memref<256xi32, #tpu.memory_space<hbm>>) target(%dma_start3A_16 : memref<256xi32, #tpu.memory_space<vmem>>) target_semaphore(%arg10 : memref<!tpu.dma_semaphore, #tpu.memory_space<semaphore_mem>>)
    %add3A_18 = arith.constant 512 : i32
    %add3A_19 = arith.addi %mul3A_2, %add3A_18 : i32
    %dma_start3A_20 = arith.constant 512 : i32
    %dma_start3A_21 = tpu.memref_slice %arg6[%dma_start3A_20] : memref<1024xi32, #tpu.memory_space<vmem>> -> memref<256xi32, #tpu.memory_space<vmem>>
    %dma_start3A_22 = tpu.memref_slice %arg2[%add3A_19] : memref<16384xi32, #tpu.memory_space<hbm>> -> memref<256xi32, #tpu.memory_space<hbm>>
    %dma_start3A_23 = arith.constant 512 : i32
    %dma_start3A_24 = tpu.memref_slice %arg6[%dma_start3A_23] : memref<1024xi32, #tpu.memory_space<vmem>> -> memref<256xi32, #tpu.memory_space<vmem>>
    %dma_start3A_25 = tpu.memref_slice %arg2[%add3A_19] : memref<16384xi32, #tpu.memory_space<hbm>> -> memref<256xi32, #tpu.memory_space<hbm>>
    tpu.enqueue_dma source(%dma_start3A_25 : memref<256xi32, #tpu.memory_space<hbm>>) target(%dma_start3A_24 : memref<256xi32, #tpu.memory_space<vmem>>) target_semaphore(%arg11 : memref<!tpu.dma_semaphore, #tpu.memory_space<semaphore_mem>>)
    %add3A_26 = arith.constant 768 : i32
    %add3A_27 = arith.addi %mul3A_2, %add3A_26 : i32
    %dma_start3A_28 = arith.constant 768 : i32
    %dma_start3A_29 = tpu.memref_slice %arg6[%dma_start3A_28] : memref<1024xi32, #tpu.memory_space<vmem>> -> memref<256xi32, #tpu.memory_space<vmem>>
    %dma_start3A_30 = tpu.memref_slice %arg2[%add3A_27] : memref<16384xi32, #tpu.memory_space<hbm>> -> memref<256xi32, #tpu.memory_space<hbm>>
    %dma_start3A_31 = arith.constant 768 : i32
    %dma_start3A_32 = tpu.memref_slice %arg6[%dma_start3A_31] : memref<1024xi32, #tpu.memory_space<vmem>> -> memref<256xi32, #tpu.memory_space<vmem>>
    %dma_start3A_33 = tpu.memref_slice %arg2[%add3A_27] : memref<16384xi32, #tpu.memory_space<hbm>> -> memref<256xi32, #tpu.memory_space<hbm>>
    tpu.enqueue_dma source(%dma_start3A_33 : memref<256xi32, #tpu.memory_space<hbm>>) target(%dma_start3A_32 : memref<256xi32, #tpu.memory_space<vmem>>) target_semaphore(%arg12 : memref<!tpu.dma_semaphore, #tpu.memory_space<semaphore_mem>>)
    tpu.wait_dma2 semaphore(%arg8 : memref<!tpu.dma_semaphore, #tpu.memory_space<semaphore_mem>>) src(%arg3 : memref<1000xf32, #tpu.memory_space<hbm>>) dst(%arg5 : memref<1000xf32, #tpu.memory_space<vmem>>)
    %dma_wait3A = arith.constant 0 : i32
    %dma_wait3A_34 = tpu.memref_slice %arg6[%dma_wait3A] : memref<1024xi32, #tpu.memory_space<vmem>> -> memref<256xi32, #tpu.memory_space<vmem>>
    %dma_wait3A_35 = tpu.memref_slice %arg2[%add3A_4] : memref<16384xi32, #tpu.memory_space<hbm>> -> memref<256xi32, #tpu.memory_space<hbm>>
    %dma_wait3A_36 = arith.constant 0 : i32
    %dma_wait3A_37 = tpu.memref_slice %arg6[%dma_wait3A_36] : memref<1024xi32, #tpu.memory_space<vmem>> -> memref<256xi32, #tpu.memory_space<vmem>>
    %dma_wait3A_38 = tpu.memref_slice %arg2[%add3A_4] : memref<16384xi32, #tpu.memory_space<hbm>> -> memref<256xi32, #tpu.memory_space<hbm>>
    tpu.wait_dma2 semaphore(%arg9 : memref<!tpu.dma_semaphore, #tpu.memory_space<semaphore_mem>>) src(%dma_wait3A_38 : memref<256xi32, #tpu.memory_space<hbm>>) dst(%dma_wait3A_37 : memref<256xi32, #tpu.memory_space<vmem>>)
    %get3A = arith.constant 0 : index
    %get3A_39 = tpu.vector_load %arg6[%get3A] {strides = array<i32>} : memref<1024xi32, #tpu.memory_space<vmem>>, vector<16xi32>,
    %gather3A = tpu.vector_load_idx %arg5[%get3A_39] : memref<1000xf32, #tpu.memory_space<vmem>>[vector<16xi32>], vector<16xf32>,
    %swap3A = arith.constant 0 : index
    %swap3A_40 = tpu.vector_load %arg7[%swap3A] {strides = array<i32>} : memref<1024xf32, #tpu.memory_space<vmem>>, vector<16xf32>,
    tpu.vector_store %arg7[%swap3A], %gather3A {strides = array<i32>} : memref<1024xf32, #tpu.memory_space<vmem>>, vector<16xf32>,
    %get3A_41 = arith.constant 16 : index
    %get3A_42 = tpu.vector_load %arg6[%get3A_41] {strides = array<i32>} : memref<1024xi32, #tpu.memory_space<vmem>>, vector<16xi32>,
    %gather3A_43 = tpu.vector_load_idx %arg5[%get3A_42] : memref<1000xf32, #tpu.memory_space<vmem>>[vector<16xi32>], vector<16xf32>,
    %swap3A_44 = arith.constant 16 : index
    %swap3A_45 = tpu.vector_load %arg7[%swap3A_44] {strides = array<i32>} : memref<1024xf32, #tpu.memory_space<vmem>>, vector<16xf32>,
    tpu.vector_store %arg7[%swap3A_44], %gather3A_43 {strides = array<i32>} : memref<1024xf32, #tpu.memory_space<vmem>>, vector<16xf32>,
    %get3A_46 = arith.constant 32 : index
    %get3A_47 = tpu.vector_load %arg6[%get3A_46] {strides = array<i32>} : memref<1024xi32, #tpu.memory_space<vmem>>, vector<16xi32>,
    %gather3A_48 = tpu.vector_load_idx %arg5[%get3A_47] : memref<1000xf32, #tpu.memory_space<vmem>>[vector<16xi32>], vector<16xf32>,
    %swap3A_49 = arith.constant 32 : index
    %swap3A_50 = tpu.vector_load %arg7[%swap3A_49] {strides = array<i32>} : memref<1024xf32, #tpu.memory_space<vmem>>, vector<16xf32>,
    tpu.vector_store %arg7[%swap3A_49], %gather3A_48 {strides = array<i32>} : memref<1024xf32, #tpu.memory_space<vmem>>, vector<16xf32>,
    %get3A_51 = arith.constant 48 : index
    %get3A_52 = tpu.vector_load %arg6[%get3A_51] {strides = array<i32>} : memref<1024xi32, #tpu.memory_space<vmem>>, vector<16xi32>,
    %gather3A_53 = tpu.vector_load_idx %arg5[%get3A_52] : memref<1000xf32, #tpu.memory_space<vmem>>[vector<16xi32>], vector<16xf32>,
    %swap3A_54 = arith.constant 48 : index
    %swap3A_55 = tpu.vector_load %arg7[%swap3A_54] {strides = array<i32>} : memref<1024xf32, #tpu.memory_space<vmem>>, vector<16xf32>,
    tpu.vector_store %arg7[%swap3A_54], %gather3A_53 {strides = array<i32>} : memref<1024xf32, #tpu.memory_space<vmem>>, vector<16xf32>,
    %get3A_56 = arith.constant 64 : index
    %get3A_57 = tpu.vector_load %arg6[%get3A_56] {strides = array<i32>} : memref<1024xi32, #tpu.memory_space<vmem>>, vector<16xi32>,
    %gather3A_58 = tpu.vector_load_idx %arg5[%get3A_57] : memref<1000xf32, #tpu.memory_space<vmem>>[vector<16xi32>], vector<16xf32>,
    %swap3A_59 = arith.constant 64 : index
    %swap3A_60 = tpu.vector_load %arg7[%swap3A_59] {strides = array<i32>} : memref<1024xf32, #tpu.memory_space<vmem>>, vector<16xf32>,
    tpu.vector_store %arg7[%swap3A_59], %gather3A_58 {strides = array<i32>} : memref<1024xf32, #tpu.memory_space<vmem>>, vector<16xf32>,
    %get3A_61 = arith.constant 80 : index
    %get3A_62 = tpu.vector_load %arg6[%get3A_61] {strides = array<i32>} : memref<1024xi32, #tpu.memory_space<vmem>>, vector<16xi32>,
    %gather3A_63 = tpu.vector_load_idx %arg5[%get3A_62] : memref<1000xf32, #tpu.memory_space<vmem>>[vector<16xi32>], vector<16xf32>,
    %swap3A_64 = arith.constant 80 : index
    %swap3A_65 = tpu.vector_load %arg7[%swap3A_64] {strides = array<i32>} : memref<1024xf32, #tpu.memory_space<vmem>>, vector<16xf32>,
    tpu.vector_store %arg7[%swap3A_64], %gather3A_63 {strides = array<i32>} : memref<1024xf32, #tpu.memory_space<vmem>>, vector<16xf32>,
    %get3A_66 = arith.constant 96 : index
    %get3A_67 = tpu.vector_load %arg6[%get3A_66] {strides = array<i32>} : memref<1024xi32, #tpu.memory_space<vmem>>, vector<16xi32>,
    %gather3A_68 = tpu.vector_load_idx %arg5[%get3A_67] : memref<1000xf32, #tpu.memory_space<vmem>>[vector<16xi32>], vector<16xf32>,
    %swap3A_69 = arith.constant 96 : index
    %swap3A_70 = tpu.vector_load %arg7[%swap3A_69] {strides = array<i32>} : memref<1024xf32, #tpu.memory_space<vmem>>, vector<16xf32>,
    tpu.vector_store %arg7[%swap3A_69], %gather3A_68 {strides = array<i32>} : memref<1024xf32, #tpu.memory_space<vmem>>, vector<16xf32>,
    %get3A_71 = arith.constant 112 : index
    %get3A_72 = tpu.vector_load %arg6[%get3A_71] {strides = array<i32>} : memref<1024xi32, #tpu.memory_space<vmem>>, vector<16xi32>,
    %gather3A_73 = tpu.vector_load_idx %arg5[%get3A_72] : memref<1000xf32, #tpu.memory_space<vmem>>[vector<16xi32>], vector<16xf32>,
    %swap3A_74 = arith.constant 112 : index
    %swap3A_75 = tpu.vector_load %arg7[%swap3A_74] {strides = array<i32>} : memref<1024xf32, #tpu.memory_space<vmem>>, vector<16xf32>,
    tpu.vector_store %arg7[%swap3A_74], %gather3A_73 {strides = array<i32>} : memref<1024xf32, #tpu.memory_space<vmem>>, vector<16xf32>,
    %get3A_76 = arith.constant 128 : index
    %get3A_77 = tpu.vector_load %arg6[%get3A_76] {strides = array<i32>} : memref<1024xi32, #tpu.memory_space<vmem>>, vector<16xi32>,
    %gather3A_78 = tpu.vector_load_idx %arg5[%get3A_77] : memref<1000xf32, #tpu.memory_space<vmem>>[vector<16xi32>], vector<16xf32>,
    %swap3A_79 = arith.constant 128 : index
    %swap3A_80 = tpu.vector_load %arg7[%swap3A_79] {strides = array<i32>} : memref<1024xf32, #tpu.memory_space<vmem>>, vector<16xf32>,
    tpu.vector_store %arg7[%swap3A_79], %gather3A_78 {strides = array<i32>} : memref<1024xf32, #tpu.memory_space<vmem>>, vector<16xf32>,
    %get3A_81 = arith.constant 144 : index
    %get3A_82 = tpu.vector_load %arg6[%get3A_81] {strides = array<i32>} : memref<1024xi32, #tpu.memory_space<vmem>>, vector<16xi32>,
    %gather3A_83 = tpu.vector_load_idx %arg5[%get3A_82] : memref<1000xf32, #tpu.memory_space<vmem>>[vector<16xi32>], vector<16xf32>,
    %swap3A_84 = arith.constant 144 : index
    %swap3A_85 = tpu.vector_load %arg7[%swap3A_84] {strides = array<i32>} : memref<1024xf32, #tpu.memory_space<vmem>>, vector<16xf32>,
    tpu.vector_store %arg7[%swap3A_84], %gather3A_83 {strides = array<i32>} : memref<1024xf32, #tpu.memory_space<vmem>>, vector<16xf32>,
    %get3A_86 = arith.constant 160 : index
    %get3A_87 = tpu.vector_load %arg6[%get3A_86] {strides = array<i32>} : memref<1024xi32, #tpu.memory_space<vmem>>, vector<16xi32>,
    %gather3A_88 = tpu.vector_load_idx %arg5[%get3A_87] : memref<1000xf32, #tpu.memory_space<vmem>>[vector<16xi32>], vector<16xf32>,
    %swap3A_89 = arith.constant 160 : index
    %swap3A_90 = tpu.vector_load %arg7[%swap3A_89] {strides = array<i32>} : memref<1024xf32, #tpu.memory_space<vmem>>, vector<16xf32>,
    tpu.vector_store %arg7[%swap3A_89], %gather3A_88 {strides = array<i32>} : memref<1024xf32, #tpu.memory_space<vmem>>, vector<16xf32>,
    %get3A_91 = arith.constant 176 : index
    %get3A_92 = tpu.vector_load %arg6[%get3A_91] {strides = array<i32>} : memref<1024xi32, #tpu.memory_space<vmem>>, vector<16xi32>,
    %gather3A_93 = tpu.vector_load_idx %arg5[%get3A_92] : memref<1000xf32, #tpu.memory_space<vmem>>[vector<16xi32>], vector<16xf32>,
    %swap3A_94 = arith.constant 176 : index
    %swap3A_95 = tpu.vector_load %arg7[%swap3A_94] {strides = array<i32>} : memref<1024xf32, #tpu.memory_space<vmem>>, vector<16xf32>,
    tpu.vector_store %arg7[%swap3A_94], %gather3A_93 {strides = array<i32>} : memref<1024xf32, #tpu.memory_space<vmem>>, vector<16xf32>,
    %get3A_96 = arith.constant 192 : index
    %get3A_97 = tpu.vector_load %arg6[%get3A_96] {strides = array<i32>} : memref<1024xi32, #tpu.memory_space<vmem>>, vector<16xi32>,
    %gather3A_98 = tpu.vector_load_idx %arg5[%get3A_97] : memref<1000xf32, #tpu.memory_space<vmem>>[vector<16xi32>], vector<16xf32>,
    %swap3A_99 = arith.constant 192 : index
    %swap3A_100 = tpu.vector_load %arg7[%swap3A_99] {strides = array<i32>} : memref<1024xf32, #tpu.memory_space<vmem>>, vector<16xf32>,
    tpu.vector_store %arg7[%swap3A_99], %gather3A_98 {strides = array<i32>} : memref<1024xf32, #tpu.memory_space<vmem>>, vector<16xf32>,
    %get3A_101 = arith.constant 208 : index
    %get3A_102 = tpu.vector_load %arg6[%get3A_101] {strides = array<i32>} : memref<1024xi32, #tpu.memory_space<vmem>>, vector<16xi32>,
    %gather3A_103 = tpu.vector_load_idx %arg5[%get3A_102] : memref<1000xf32, #tpu.memory_space<vmem>>[vector<16xi32>], vector<16xf32>,
    %swap3A_104 = arith.constant 208 : index
    %swap3A_105 = tpu.vector_load %arg7[%swap3A_104] {strides = array<i32>} : memref<1024xf32, #tpu.memory_space<vmem>>, vector<16xf32>,
    tpu.vector_store %arg7[%swap3A_104], %gather3A_103 {strides = array<i32>} : memref<1024xf32, #tpu.memory_space<vmem>>, vector<16xf32>,
    %get3A_106 = arith.constant 224 : index
    %get3A_107 = tpu.vector_load %arg6[%get3A_106] {strides = array<i32>} : memref<1024xi32, #tpu.memory_space<vmem>>, vector<16xi32>,
    %gather3A_108 = tpu.vector_load_idx %arg5[%get3A_107] : memref<1000xf32, #tpu.memory_space<vmem>>[vector<16xi32>], vector<16xf32>,
    %swap3A_109 = arith.constant 224 : index
    %swap3A_110 = tpu.vector_load %arg7[%swap3A_109] {strides = array<i32>} : memref<1024xf32, #tpu.memory_space<vmem>>, vector<16xf32>,
    tpu.vector_store %arg7[%swap3A_109], %gather3A_108 {strides = array<i32>} : memref<1024xf32, #tpu.memory_space<vmem>>, vector<16xf32>,
    %get3A_111 = arith.constant 240 : index
    %get3A_112 = tpu.vector_load %arg6[%get3A_111] {strides = array<i32>} : memref<1024xi32, #tpu.memory_space<vmem>>, vector<16xi32>,
    %gather3A_113 = tpu.vector_load_idx %arg5[%get3A_112] : memref<1000xf32, #tpu.memory_space<vmem>>[vector<16xi32>], vector<16xf32>,
    %swap3A_114 = arith.constant 240 : index
    %swap3A_115 = tpu.vector_load %arg7[%swap3A_114] {strides = array<i32>} : memref<1024xf32, #tpu.memory_space<vmem>>, vector<16xf32>,
    tpu.vector_store %arg7[%swap3A_114], %gather3A_113 {strides = array<i32>} : memref<1024xf32, #tpu.memory_space<vmem>>, vector<16xf32>,
    %add3A_116 = arith.constant 0 : i32
    %add3A_117 = arith.addi %mul3A_2, %add3A_116 : i32
    %dma_start3A_118 = arith.constant 0 : i32
    %dma_start3A_119 = tpu.memref_slice %arg7[%dma_start3A_118] : memref<1024xf32, #tpu.memory_space<vmem>> -> memref<256xf32, #tpu.memory_space<vmem>>
    %dma_start3A_120 = tpu.memref_slice %arg4[%add3A_117] : memref<16384xf32, #tpu.memory_space<hbm>> -> memref<256xf32, #tpu.memory_space<hbm>>
    %dma_start3A_121 = tpu.memref_slice %arg4[%add3A_117] : memref<16384xf32, #tpu.memory_space<hbm>> -> memref<256xf32, #tpu.memory_space<hbm>>
    %dma_start3A_122 = arith.constant 0 : i32
    %dma_start3A_123 = tpu.memref_slice %arg7[%dma_start3A_122] : memref<1024xf32, #tpu.memory_space<vmem>> -> memref<256xf32, #tpu.memory_space<vmem>>
    tpu.enqueue_dma source(%dma_start3A_123 : memref<256xf32, #tpu.memory_space<vmem>>) target(%dma_start3A_121 : memref<256xf32, #tpu.memory_space<hbm>>) target_semaphore(%arg13 : memref<!tpu.dma_semaphore, #tpu.memory_space<semaphore_mem>>)
    %dma_wait3A_124 = arith.constant 256 : i32
    %dma_wait3A_125 = tpu.memref_slice %arg6[%dma_wait3A_124] : memref<1024xi32, #tpu.memory_space<vmem>> -> memref<256xi32, #tpu.memory_space<vmem>>
    %dma_wait3A_126 = tpu.memref_slice %arg2[%add3A_11] : memref<16384xi32, #tpu.memory_space<hbm>> -> memref<256xi32, #tpu.memory_space<hbm>>
    %dma_wait3A_127 = arith.constant 256 : i32
    %dma_wait3A_128 = tpu.memref_slice %arg6[%dma_wait3A_127] : memref<1024xi32, #tpu.memory_space<vmem>> -> memref<256xi32, #tpu.memory_space<vmem>>
    %dma_wait3A_129 = tpu.memref_slice %arg2[%add3A_11] : memref<16384xi32, #tpu.memory_space<hbm>> -> memref<256xi32, #tpu.memory_space<hbm>>
    tpu.wait_dma2 semaphore(%arg10 : memref<!tpu.dma_semaphore, #tpu.memory_space<semaphore_mem>>) src(%dma_wait3A_129 : memref<256xi32, #tpu.memory_space<hbm>>) dst(%dma_wait3A_128 : memref<256xi32, #tpu.memory_space<vmem>>)
    %get3A_130 = arith.constant 256 : index
    %get3A_131 = tpu.vector_load %arg6[%get3A_130] {strides = array<i32>} : memref<1024xi32, #tpu.memory_space<vmem>>, vector<16xi32>,
    %gather3A_132 = tpu.vector_load_idx %arg5[%get3A_131] : memref<1000xf32, #tpu.memory_space<vmem>>[vector<16xi32>], vector<16xf32>,
    %swap3A_133 = arith.constant 256 : index
    %swap3A_134 = tpu.vector_load %arg7[%swap3A_133] {strides = array<i32>} : memref<1024xf32, #tpu.memory_space<vmem>>, vector<16xf32>,
    tpu.vector_store %arg7[%swap3A_133], %gather3A_132 {strides = array<i32>} : memref<1024xf32, #tpu.memory_space<vmem>>, vector<16xf32>,
    %get3A_135 = arith.constant 272 : index
    %get3A_136 = tpu.vector_load %arg6[%get3A_135] {strides = array<i32>} : memref<1024xi32, #tpu.memory_space<vmem>>, vector<16xi32>,
    %gather3A_137 = tpu.vector_load_idx %arg5[%get3A_136] : memref<1000xf32, #tpu.memory_space<vmem>>[vector<16xi32>], vector<16xf32>,
    %swap3A_138 = arith.constant 272 : index
    %swap3A_139 = tpu.vector_load %arg7[%swap3A_138] {strides = array<i32>} : memref<1024xf32, #tpu.memory_space<vmem>>, vector<16xf32>,
    tpu.vector_store %arg7[%swap3A_138], %gather3A_137 {strides = array<i32>} : memref<1024xf32, #tpu.memory_space<vmem>>, vector<16xf32>,
    %get3A_140 = arith.constant 288 : index
    %get3A_141 = tpu.vector_load %arg6[%get3A_140] {strides = array<i32>} : memref<1024xi32, #tpu.memory_space<vmem>>, vector<16xi32>,
    %gather3A_142 = tpu.vector_load_idx %arg5[%get3A_141] : memref<1000xf32, #tpu.memory_space<vmem>>[vector<16xi32>], vector<16xf32>,
    %swap3A_143 = arith.constant 288 : index
    %swap3A_144 = tpu.vector_load %arg7[%swap3A_143] {strides = array<i32>} : memref<1024xf32, #tpu.memory_space<vmem>>, vector<16xf32>,
    tpu.vector_store %arg7[%swap3A_143], %gather3A_142 {strides = array<i32>} : memref<1024xf32, #tpu.memory_space<vmem>>, vector<16xf32>,
    %get3A_145 = arith.constant 304 : index
    %get3A_146 = tpu.vector_load %arg6[%get3A_145] {strides = array<i32>} : memref<1024xi32, #tpu.memory_space<vmem>>, vector<16xi32>,
    %gather3A_147 = tpu.vector_load_idx %arg5[%get3A_146] : memref<1000xf32, #tpu.memory_space<vmem>>[vector<16xi32>], vector<16xf32>,
    %swap3A_148 = arith.constant 304 : index
    %swap3A_149 = tpu.vector_load %arg7[%swap3A_148] {strides = array<i32>} : memref<1024xf32, #tpu.memory_space<vmem>>, vector<16xf32>,
    tpu.vector_store %arg7[%swap3A_148], %gather3A_147 {strides = array<i32>} : memref<1024xf32, #tpu.memory_space<vmem>>, vector<16xf32>,
    %get3A_150 = arith.constant 320 : index
    %get3A_151 = tpu.vector_load %arg6[%get3A_150] {strides = array<i32>} : memref<1024xi32, #tpu.memory_space<vmem>>, vector<16xi32>,
    %gather3A_152 = tpu.vector_load_idx %arg5[%get3A_151] : memref<1000xf32, #tpu.memory_space<vmem>>[vector<16xi32>], vector<16xf32>,
    %swap3A_153 = arith.constant 320 : index
    %swap3A_154 = tpu.vector_load %arg7[%swap3A_153] {strides = array<i32>} : memref<1024xf32, #tpu.memory_space<vmem>>, vector<16xf32>,
    tpu.vector_store %arg7[%swap3A_153], %gather3A_152 {strides = array<i32>} : memref<1024xf32, #tpu.memory_space<vmem>>, vector<16xf32>,
    %get3A_155 = arith.constant 336 : index
    %get3A_156 = tpu.vector_load %arg6[%get3A_155] {strides = array<i32>} : memref<1024xi32, #tpu.memory_space<vmem>>, vector<16xi32>,
    %gather3A_157 = tpu.vector_load_idx %arg5[%get3A_156] : memref<1000xf32, #tpu.memory_space<vmem>>[vector<16xi32>], vector<16xf32>,
    %swap3A_158 = arith.constant 336 : index
    %swap3A_159 = tpu.vector_load %arg7[%swap3A_158] {strides = array<i32>} : memref<1024xf32, #tpu.memory_space<vmem>>, vector<16xf32>,
    tpu.vector_store %arg7[%swap3A_158], %gather3A_157 {strides = array<i32>} : memref<1024xf32, #tpu.memory_space<vmem>>, vector<16xf32>,
    %get3A_160 = arith.constant 352 : index
    %get3A_161 = tpu.vector_load %arg6[%get3A_160] {strides = array<i32>} : memref<1024xi32, #tpu.memory_space<vmem>>, vector<16xi32>,
    %gather3A_162 = tpu.vector_load_idx %arg5[%get3A_161] : memref<1000xf32, #tpu.memory_space<vmem>>[vector<16xi32>], vector<16xf32>,
    %swap3A_163 = arith.constant 352 : index
    %swap3A_164 = tpu.vector_load %arg7[%swap3A_163] {strides = array<i32>} : memref<1024xf32, #tpu.memory_space<vmem>>, vector<16xf32>,
    tpu.vector_store %arg7[%swap3A_163], %gather3A_162 {strides = array<i32>} : memref<1024xf32, #tpu.memory_space<vmem>>, vector<16xf32>,
    %get3A_165 = arith.constant 368 : index
    %get3A_166 = tpu.vector_load %arg6[%get3A_165] {strides = array<i32>} : memref<1024xi32, #tpu.memory_space<vmem>>, vector<16xi32>,
    %gather3A_167 = tpu.vector_load_idx %arg5[%get3A_166] : memref<1000xf32, #tpu.memory_space<vmem>>[vector<16xi32>], vector<16xf32>,
    %swap3A_168 = arith.constant 368 : index
    %swap3A_169 = tpu.vector_load %arg7[%swap3A_168] {strides = array<i32>} : memref<1024xf32, #tpu.memory_space<vmem>>, vector<16xf32>,
    tpu.vector_store %arg7[%swap3A_168], %gather3A_167 {strides = array<i32>} : memref<1024xf32, #tpu.memory_space<vmem>>, vector<16xf32>,
    %get3A_170 = arith.constant 384 : index
    %get3A_171 = tpu.vector_load %arg6[%get3A_170] {strides = array<i32>} : memref<1024xi32, #tpu.memory_space<vmem>>, vector<16xi32>,
    %gather3A_172 = tpu.vector_load_idx %arg5[%get3A_171] : memref<1000xf32, #tpu.memory_space<vmem>>[vector<16xi32>], vector<16xf32>,
    %swap3A_173 = arith.constant 384 : index
    %swap3A_174 = tpu.vector_load %arg7[%swap3A_173] {strides = array<i32>} : memref<1024xf32, #tpu.memory_space<vmem>>, vector<16xf32>,
    tpu.vector_store %arg7[%swap3A_173], %gather3A_172 {strides = array<i32>} : memref<1024xf32, #tpu.memory_space<vmem>>, vector<16xf32>,
    %get3A_175 = arith.constant 400 : index
    %get3A_176 = tpu.vector_load %arg6[%get3A_175] {strides = array<i32>} : memref<1024xi32, #tpu.memory_space<vmem>>, vector<16xi32>,
    %gather3A_177 = tpu.vector_load_idx %arg5[%get3A_176] : memref<1000xf32, #tpu.memory_space<vmem>>[vector<16xi32>], vector<16xf32>,
    %swap3A_178 = arith.constant 400 : index
    %swap3A_179 = tpu.vector_load %arg7[%swap3A_178] {strides = array<i32>} : memref<1024xf32, #tpu.memory_space<vmem>>, vector<16xf32>,
    tpu.vector_store %arg7[%swap3A_178], %gather3A_177 {strides = array<i32>} : memref<1024xf32, #tpu.memory_space<vmem>>, vector<16xf32>,
    %get3A_180 = arith.constant 416 : index
    %get3A_181 = tpu.vector_load %arg6[%get3A_180] {strides = array<i32>} : memref<1024xi32, #tpu.memory_space<vmem>>, vector<16xi32>,
    %gather3A_182 = tpu.vector_load_idx %arg5[%get3A_181] : memref<1000xf32, #tpu.memory_space<vmem>>[vector<16xi32>], vector<16xf32>,
    %swap3A_183 = arith.constant 416 : index
    %swap3A_184 = tpu.vector_load %arg7[%swap3A_183] {strides = array<i32>} : memref<1024xf32, #tpu.memory_space<vmem>>, vector<16xf32>,
    tpu.vector_store %arg7[%swap3A_183], %gather3A_182 {strides = array<i32>} : memref<1024xf32, #tpu.memory_space<vmem>>, vector<16xf32>,
    %get3A_185 = arith.constant 432 : index
    %get3A_186 = tpu.vector_load %arg6[%get3A_185] {strides = array<i32>} : memref<1024xi32, #tpu.memory_space<vmem>>, vector<16xi32>,
    %gather3A_187 = tpu.vector_load_idx %arg5[%get3A_186] : memref<1000xf32, #tpu.memory_space<vmem>>[vector<16xi32>], vector<16xf32>,
    %swap3A_188 = arith.constant 432 : index
    %swap3A_189 = tpu.vector_load %arg7[%swap3A_188] {strides = array<i32>} : memref<1024xf32, #tpu.memory_space<vmem>>, vector<16xf32>,
    tpu.vector_store %arg7[%swap3A_188], %gather3A_187 {strides = array<i32>} : memref<1024xf32, #tpu.memory_space<vmem>>, vector<16xf32>,
    %get3A_190 = arith.constant 448 : index
    %get3A_191 = tpu.vector_load %arg6[%get3A_190] {strides = array<i32>} : memref<1024xi32, #tpu.memory_space<vmem>>, vector<16xi32>,
    %gather3A_192 = tpu.vector_load_idx %arg5[%get3A_191] : memref<1000xf32, #tpu.memory_space<vmem>>[vector<16xi32>], vector<16xf32>,
    %swap3A_193 = arith.constant 448 : index
    %swap3A_194 = tpu.vector_load %arg7[%swap3A_193] {strides = array<i32>} : memref<1024xf32, #tpu.memory_space<vmem>>, vector<16xf32>,
    tpu.vector_store %arg7[%swap3A_193], %gather3A_192 {strides = array<i32>} : memref<1024xf32, #tpu.memory_space<vmem>>, vector<16xf32>,
    %get3A_195 = arith.constant 464 : index
    %get3A_196 = tpu.vector_load %arg6[%get3A_195] {strides = array<i32>} : memref<1024xi32, #tpu.memory_space<vmem>>, vector<16xi32>,
    %gather3A_197 = tpu.vector_load_idx %arg5[%get3A_196] : memref<1000xf32, #tpu.memory_space<vmem>>[vector<16xi32>], vector<16xf32>,
    %swap3A_198 = arith.constant 464 : index
    %swap3A_199 = tpu.vector_load %arg7[%swap3A_198] {strides = array<i32>} : memref<1024xf32, #tpu.memory_space<vmem>>, vector<16xf32>,
    tpu.vector_store %arg7[%swap3A_198], %gather3A_197 {strides = array<i32>} : memref<1024xf32, #tpu.memory_space<vmem>>, vector<16xf32>,
    %get3A_200 = arith.constant 480 : index
    %get3A_201 = tpu.vector_load %arg6[%get3A_200] {strides = array<i32>} : memref<1024xi32, #tpu.memory_space<vmem>>, vector<16xi32>,
    %gather3A_202 = tpu.vector_load_idx %arg5[%get3A_201] : memref<1000xf32, #tpu.memory_space<vmem>>[vector<16xi32>], vector<16xf32>,
    %swap3A_203 = arith.constant 480 : index
    %swap3A_204 = tpu.vector_load %arg7[%swap3A_203] {strides = array<i32>} : memref<1024xf32, #tpu.memory_space<vmem>>, vector<16xf32>,
    tpu.vector_store %arg7[%swap3A_203], %gather3A_202 {strides = array<i32>} : memref<1024xf32, #tpu.memory_space<vmem>>, vector<16xf32>,
    %get3A_205 = arith.constant 496 : index
    %get3A_206 = tpu.vector_load %arg6[%get3A_205] {strides = array<i32>} : memref<1024xi32, #tpu.memory_space<vmem>>, vector<16xi32>,
    %gather3A_207 = tpu.vector_load_idx %arg5[%get3A_206] : memref<1000xf32, #tpu.memory_space<vmem>>[vector<16xi32>], vector<16xf32>,
    %swap3A_208 = arith.constant 496 : index
    %swap3A_209 = tpu.vector_load %arg7[%swap3A_208] {strides = array<i32>} : memref<1024xf32, #tpu.memory_space<vmem>>, vector<16xf32>,
    tpu.vector_store %arg7[%swap3A_208], %gather3A_207 {strides = array<i32>} : memref<1024xf32, #tpu.memory_space<vmem>>, vector<16xf32>,
    %add3A_210 = arith.constant 256 : i32
    %add3A_211 = arith.addi %mul3A_2, %add3A_210 : i32
    %dma_start3A_212 = arith.constant 256 : i32
    %dma_start3A_213 = tpu.memref_slice %arg7[%dma_start3A_212] : memref<1024xf32, #tpu.memory_space<vmem>> -> memref<256xf32, #tpu.memory_space<vmem>>
    %dma_start3A_214 = tpu.memref_slice %arg4[%add3A_211] : memref<16384xf32, #tpu.memory_space<hbm>> -> memref<256xf32, #tpu.memory_space<hbm>>
    %dma_start3A_215 = tpu.memref_slice %arg4[%add3A_211] : memref<16384xf32, #tpu.memory_space<hbm>> -> memref<256xf32, #tpu.memory_space<hbm>>
    %dma_start3A_216 = arith.constant 256 : i32
    %dma_start3A_217 = tpu.memref_slice %arg7[%dma_start3A_216] : memref<1024xf32, #tpu.memory_space<vmem>> -> memref<256xf32, #tpu.memory_space<vmem>>
    tpu.enqueue_dma source(%dma_start3A_217 : memref<256xf32, #tpu.memory_space<vmem>>) target(%dma_start3A_215 : memref<256xf32, #tpu.memory_space<hbm>>) target_semaphore(%arg13 : memref<!tpu.dma_semaphore, #tpu.memory_space<semaphore_mem>>)
    %dma_wait3A_218 = arith.constant 512 : i32
    %dma_wait3A_219 = tpu.memref_slice %arg6[%dma_wait3A_218] : memref<1024xi32, #tpu.memory_space<vmem>> -> memref<256xi32, #tpu.memory_space<vmem>>
    %dma_wait3A_220 = tpu.memref_slice %arg2[%add3A_19] : memref<16384xi32, #tpu.memory_space<hbm>> -> memref<256xi32, #tpu.memory_space<hbm>>
    %dma_wait3A_221 = arith.constant 512 : i32
    %dma_wait3A_222 = tpu.memref_slice %arg6[%dma_wait3A_221] : memref<1024xi32, #tpu.memory_space<vmem>> -> memref<256xi32, #tpu.memory_space<vmem>>
    %dma_wait3A_223 = tpu.memref_slice %arg2[%add3A_19] : memref<16384xi32, #tpu.memory_space<hbm>> -> memref<256xi32, #tpu.memory_space<hbm>>
    tpu.wait_dma2 semaphore(%arg11 : memref<!tpu.dma_semaphore, #tpu.memory_space<semaphore_mem>>) src(%dma_wait3A_223 : memref<256xi32, #tpu.memory_space<hbm>>) dst(%dma_wait3A_222 : memref<256xi32, #tpu.memory_space<vmem>>)
    %get3A_224 = arith.constant 512 : index
    %get3A_225 = tpu.vector_load %arg6[%get3A_224] {strides = array<i32>} : memref<1024xi32, #tpu.memory_space<vmem>>, vector<16xi32>,
    %gather3A_226 = tpu.vector_load_idx %arg5[%get3A_225] : memref<1000xf32, #tpu.memory_space<vmem>>[vector<16xi32>], vector<16xf32>,
    %swap3A_227 = arith.constant 512 : index
    %swap3A_228 = tpu.vector_load %arg7[%swap3A_227] {strides = array<i32>} : memref<1024xf32, #tpu.memory_space<vmem>>, vector<16xf32>,
    tpu.vector_store %arg7[%swap3A_227], %gather3A_226 {strides = array<i32>} : memref<1024xf32, #tpu.memory_space<vmem>>, vector<16xf32>,
    %get3A_229 = arith.constant 528 : index
    %get3A_230 = tpu.vector_load %arg6[%get3A_229] {strides = array<i32>} : memref<1024xi32, #tpu.memory_space<vmem>>, vector<16xi32>,
    %gather3A_231 = tpu.vector_load_idx %arg5[%get3A_230] : memref<1000xf32, #tpu.memory_space<vmem>>[vector<16xi32>], vector<16xf32>,
    %swap3A_232 = arith.constant 528 : index
    %swap3A_233 = tpu.vector_load %arg7[%swap3A_232] {strides = array<i32>} : memref<1024xf32, #tpu.memory_space<vmem>>, vector<16xf32>,
    tpu.vector_store %arg7[%swap3A_232], %gather3A_231 {strides = array<i32>} : memref<1024xf32, #tpu.memory_space<vmem>>, vector<16xf32>,
    %get3A_234 = arith.constant 544 : index
    %get3A_235 = tpu.vector_load %arg6[%get3A_234] {strides = array<i32>} : memref<1024xi32, #tpu.memory_space<vmem>>, vector<16xi32>,
    %gather3A_236 = tpu.vector_load_idx %arg5[%get3A_235] : memref<1000xf32, #tpu.memory_space<vmem>>[vector<16xi32>], vector<16xf32>,
    %swap3A_237 = arith.constant 544 : index
    %swap3A_238 = tpu.vector_load %arg7[%swap3A_237] {strides = array<i32>} : memref<1024xf32, #tpu.memory_space<vmem>>, vector<16xf32>,
    tpu.vector_store %arg7[%swap3A_237], %gather3A_236 {strides = array<i32>} : memref<1024xf32, #tpu.memory_space<vmem>>, vector<16xf32>,
    %get3A_239 = arith.constant 560 : index
    %get3A_240 = tpu.vector_load %arg6[%get3A_239] {strides = array<i32>} : memref<1024xi32, #tpu.memory_space<vmem>>, vector<16xi32>,
    %gather3A_241 = tpu.vector_load_idx %arg5[%get3A_240] : memref<1000xf32, #tpu.memory_space<vmem>>[vector<16xi32>], vector<16xf32>,
    %swap3A_242 = arith.constant 560 : index
    %swap3A_243 = tpu.vector_load %arg7[%swap3A_242] {strides = array<i32>} : memref<1024xf32, #tpu.memory_space<vmem>>, vector<16xf32>,
    tpu.vector_store %arg7[%swap3A_242], %gather3A_241 {strides = array<i32>} : memref<1024xf32, #tpu.memory_space<vmem>>, vector<16xf32>,
    %get3A_244 = arith.constant 576 : index
    %get3A_245 = tpu.vector_load %arg6[%get3A_244] {strides = array<i32>} : memref<1024xi32, #tpu.memory_space<vmem>>, vector<16xi32>,
    %gather3A_246 = tpu.vector_load_idx %arg5[%get3A_245] : memref<1000xf32, #tpu.memory_space<vmem>>[vector<16xi32>], vector<16xf32>,
    %swap3A_247 = arith.constant 576 : index
    %swap3A_248 = tpu.vector_load %arg7[%swap3A_247] {strides = array<i32>} : memref<1024xf32, #tpu.memory_space<vmem>>, vector<16xf32>,
    tpu.vector_store %arg7[%swap3A_247], %gather3A_246 {strides = array<i32>} : memref<1024xf32, #tpu.memory_space<vmem>>, vector<16xf32>,
    %get3A_249 = arith.constant 592 : index
    %get3A_250 = tpu.vector_load %arg6[%get3A_249] {strides = array<i32>} : memref<1024xi32, #tpu.memory_space<vmem>>, vector<16xi32>,
    %gather3A_251 = tpu.vector_load_idx %arg5[%get3A_250] : memref<1000xf32, #tpu.memory_space<vmem>>[vector<16xi32>], vector<16xf32>,
    %swap3A_252 = arith.constant 592 : index
    %swap3A_253 = tpu.vector_load %arg7[%swap3A_252] {strides = array<i32>} : memref<1024xf32, #tpu.memory_space<vmem>>, vector<16xf32>,
    tpu.vector_store %arg7[%swap3A_252], %gather3A_251 {strides = array<i32>} : memref<1024xf32, #tpu.memory_space<vmem>>, vector<16xf32>,
    %get3A_254 = arith.constant 608 : index
    %get3A_255 = tpu.vector_load %arg6[%get3A_254] {strides = array<i32>} : memref<1024xi32, #tpu.memory_space<vmem>>, vector<16xi32>,
    %gather3A_256 = tpu.vector_load_idx %arg5[%get3A_255] : memref<1000xf32, #tpu.memory_space<vmem>>[vector<16xi32>], vector<16xf32>,
    %swap3A_257 = arith.constant 608 : index
    %swap3A_258 = tpu.vector_load %arg7[%swap3A_257] {strides = array<i32>} : memref<1024xf32, #tpu.memory_space<vmem>>, vector<16xf32>,
    tpu.vector_store %arg7[%swap3A_257], %gather3A_256 {strides = array<i32>} : memref<1024xf32, #tpu.memory_space<vmem>>, vector<16xf32>,
    %get3A_259 = arith.constant 624 : index
    %get3A_260 = tpu.vector_load %arg6[%get3A_259] {strides = array<i32>} : memref<1024xi32, #tpu.memory_space<vmem>>, vector<16xi32>,
    %gather3A_261 = tpu.vector_load_idx %arg5[%get3A_260] : memref<1000xf32, #tpu.memory_space<vmem>>[vector<16xi32>], vector<16xf32>,
    %swap3A_262 = arith.constant 624 : index
    %swap3A_263 = tpu.vector_load %arg7[%swap3A_262] {strides = array<i32>} : memref<1024xf32, #tpu.memory_space<vmem>>, vector<16xf32>,
    tpu.vector_store %arg7[%swap3A_262], %gather3A_261 {strides = array<i32>} : memref<1024xf32, #tpu.memory_space<vmem>>, vector<16xf32>,
    %get3A_264 = arith.constant 640 : index
    %get3A_265 = tpu.vector_load %arg6[%get3A_264] {strides = array<i32>} : memref<1024xi32, #tpu.memory_space<vmem>>, vector<16xi32>,
    %gather3A_266 = tpu.vector_load_idx %arg5[%get3A_265] : memref<1000xf32, #tpu.memory_space<vmem>>[vector<16xi32>], vector<16xf32>,
    %swap3A_267 = arith.constant 640 : index
    %swap3A_268 = tpu.vector_load %arg7[%swap3A_267] {strides = array<i32>} : memref<1024xf32, #tpu.memory_space<vmem>>, vector<16xf32>,
    tpu.vector_store %arg7[%swap3A_267], %gather3A_266 {strides = array<i32>} : memref<1024xf32, #tpu.memory_space<vmem>>, vector<16xf32>,
    %get3A_269 = arith.constant 656 : index
    %get3A_270 = tpu.vector_load %arg6[%get3A_269] {strides = array<i32>} : memref<1024xi32, #tpu.memory_space<vmem>>, vector<16xi32>,
    %gather3A_271 = tpu.vector_load_idx %arg5[%get3A_270] : memref<1000xf32, #tpu.memory_space<vmem>>[vector<16xi32>], vector<16xf32>,
    %swap3A_272 = arith.constant 656 : index
    %swap3A_273 = tpu.vector_load %arg7[%swap3A_272] {strides = array<i32>} : memref<1024xf32, #tpu.memory_space<vmem>>, vector<16xf32>,
    tpu.vector_store %arg7[%swap3A_272], %gather3A_271 {strides = array<i32>} : memref<1024xf32, #tpu.memory_space<vmem>>, vector<16xf32>,
    %get3A_274 = arith.constant 672 : index
    %get3A_275 = tpu.vector_load %arg6[%get3A_274] {strides = array<i32>} : memref<1024xi32, #tpu.memory_space<vmem>>, vector<16xi32>,
    %gather3A_276 = tpu.vector_load_idx %arg5[%get3A_275] : memref<1000xf32, #tpu.memory_space<vmem>>[vector<16xi32>], vector<16xf32>,
    %swap3A_277 = arith.constant 672 : index
    %swap3A_278 = tpu.vector_load %arg7[%swap3A_277] {strides = array<i32>} : memref<1024xf32, #tpu.memory_space<vmem>>, vector<16xf32>,
    tpu.vector_store %arg7[%swap3A_277], %gather3A_276 {strides = array<i32>} : memref<1024xf32, #tpu.memory_space<vmem>>, vector<16xf32>,
    %get3A_279 = arith.constant 688 : index
    %get3A_280 = tpu.vector_load %arg6[%get3A_279] {strides = array<i32>} : memref<1024xi32, #tpu.memory_space<vmem>>, vector<16xi32>,
    %gather3A_281 = tpu.vector_load_idx %arg5[%get3A_280] : memref<1000xf32, #tpu.memory_space<vmem>>[vector<16xi32>], vector<16xf32>,
    %swap3A_282 = arith.constant 688 : index
    %swap3A_283 = tpu.vector_load %arg7[%swap3A_282] {strides = array<i32>} : memref<1024xf32, #tpu.memory_space<vmem>>, vector<16xf32>,
    tpu.vector_store %arg7[%swap3A_282], %gather3A_281 {strides = array<i32>} : memref<1024xf32, #tpu.memory_space<vmem>>, vector<16xf32>,
    %get3A_284 = arith.constant 704 : index
    %get3A_285 = tpu.vector_load %arg6[%get3A_284] {strides = array<i32>} : memref<1024xi32, #tpu.memory_space<vmem>>, vector<16xi32>,
    %gather3A_286 = tpu.vector_load_idx %arg5[%get3A_285] : memref<1000xf32, #tpu.memory_space<vmem>>[vector<16xi32>], vector<16xf32>,
    %swap3A_287 = arith.constant 704 : index
    %swap3A_288 = tpu.vector_load %arg7[%swap3A_287] {strides = array<i32>} : memref<1024xf32, #tpu.memory_space<vmem>>, vector<16xf32>,
    tpu.vector_store %arg7[%swap3A_287], %gather3A_286 {strides = array<i32>} : memref<1024xf32, #tpu.memory_space<vmem>>, vector<16xf32>,
    %get3A_289 = arith.constant 720 : index
    %get3A_290 = tpu.vector_load %arg6[%get3A_289] {strides = array<i32>} : memref<1024xi32, #tpu.memory_space<vmem>>, vector<16xi32>,
    %gather3A_291 = tpu.vector_load_idx %arg5[%get3A_290] : memref<1000xf32, #tpu.memory_space<vmem>>[vector<16xi32>], vector<16xf32>,
    %swap3A_292 = arith.constant 720 : index
    %swap3A_293 = tpu.vector_load %arg7[%swap3A_292] {strides = array<i32>} : memref<1024xf32, #tpu.memory_space<vmem>>, vector<16xf32>,
    tpu.vector_store %arg7[%swap3A_292], %gather3A_291 {strides = array<i32>} : memref<1024xf32, #tpu.memory_space<vmem>>, vector<16xf32>,
    %get3A_294 = arith.constant 736 : index
    %get3A_295 = tpu.vector_load %arg6[%get3A_294] {strides = array<i32>} : memref<1024xi32, #tpu.memory_space<vmem>>, vector<16xi32>,
    %gather3A_296 = tpu.vector_load_idx %arg5[%get3A_295] : memref<1000xf32, #tpu.memory_space<vmem>>[vector<16xi32>], vector<16xf32>,
    %swap3A_297 = arith.constant 736 : index
    %swap3A_298 = tpu.vector_load %arg7[%swap3A_297] {strides = array<i32>} : memref<1024xf32, #tpu.memory_space<vmem>>, vector<16xf32>,
    tpu.vector_store %arg7[%swap3A_297], %gather3A_296 {strides = array<i32>} : memref<1024xf32, #tpu.memory_space<vmem>>, vector<16xf32>,
    %get3A_299 = arith.constant 752 : index
    %get3A_300 = tpu.vector_load %arg6[%get3A_299] {strides = array<i32>} : memref<1024xi32, #tpu.memory_space<vmem>>, vector<16xi32>,
    %gather3A_301 = tpu.vector_load_idx %arg5[%get3A_300] : memref<1000xf32, #tpu.memory_space<vmem>>[vector<16xi32>], vector<16xf32>,
    %swap3A_302 = arith.constant 752 : index
    %swap3A_303 = tpu.vector_load %arg7[%swap3A_302] {strides = array<i32>} : memref<1024xf32, #tpu.memory_space<vmem>>, vector<16xf32>,
    tpu.vector_store %arg7[%swap3A_302], %gather3A_301 {strides = array<i32>} : memref<1024xf32, #tpu.memory_space<vmem>>, vector<16xf32>,
    %add3A_304 = arith.constant 512 : i32
    %add3A_305 = arith.addi %mul3A_2, %add3A_304 : i32
    %dma_start3A_306 = arith.constant 512 : i32
    %dma_start3A_307 = tpu.memref_slice %arg7[%dma_start3A_306] : memref<1024xf32, #tpu.memory_space<vmem>> -> memref<256xf32, #tpu.memory_space<vmem>>
    %dma_start3A_308 = tpu.memref_slice %arg4[%add3A_305] : memref<16384xf32, #tpu.memory_space<hbm>> -> memref<256xf32, #tpu.memory_space<hbm>>
    %dma_start3A_309 = tpu.memref_slice %arg4[%add3A_305] : memref<16384xf32, #tpu.memory_space<hbm>> -> memref<256xf32, #tpu.memory_space<hbm>>
    %dma_start3A_310 = arith.constant 512 : i32
    %dma_start3A_311 = tpu.memref_slice %arg7[%dma_start3A_310] : memref<1024xf32, #tpu.memory_space<vmem>> -> memref<256xf32, #tpu.memory_space<vmem>>
    tpu.enqueue_dma source(%dma_start3A_311 : memref<256xf32, #tpu.memory_space<vmem>>) target(%dma_start3A_309 : memref<256xf32, #tpu.memory_space<hbm>>) target_semaphore(%arg13 : memref<!tpu.dma_semaphore, #tpu.memory_space<semaphore_mem>>)
    %dma_wait3A_312 = arith.constant 768 : i32
    %dma_wait3A_313 = tpu.memref_slice %arg6[%dma_wait3A_312] : memref<1024xi32, #tpu.memory_space<vmem>> -> memref<256xi32, #tpu.memory_space<vmem>>
    %dma_wait3A_314 = tpu.memref_slice %arg2[%add3A_27] : memref<16384xi32, #tpu.memory_space<hbm>> -> memref<256xi32, #tpu.memory_space<hbm>>
    %dma_wait3A_315 = arith.constant 768 : i32
    %dma_wait3A_316 = tpu.memref_slice %arg6[%dma_wait3A_315] : memref<1024xi32, #tpu.memory_space<vmem>> -> memref<256xi32, #tpu.memory_space<vmem>>
    %dma_wait3A_317 = tpu.memref_slice %arg2[%add3A_27] : memref<16384xi32, #tpu.memory_space<hbm>> -> memref<256xi32, #tpu.memory_space<hbm>>
    tpu.wait_dma2 semaphore(%arg12 : memref<!tpu.dma_semaphore, #tpu.memory_space<semaphore_mem>>) src(%dma_wait3A_317 : memref<256xi32, #tpu.memory_space<hbm>>) dst(%dma_wait3A_316 : memref<256xi32, #tpu.memory_space<vmem>>)
    %get3A_318 = arith.constant 768 : index
    %get3A_319 = tpu.vector_load %arg6[%get3A_318] {strides = array<i32>} : memref<1024xi32, #tpu.memory_space<vmem>>, vector<16xi32>,
    %gather3A_320 = tpu.vector_load_idx %arg5[%get3A_319] : memref<1000xf32, #tpu.memory_space<vmem>>[vector<16xi32>], vector<16xf32>,
    %swap3A_321 = arith.constant 768 : index
    %swap3A_322 = tpu.vector_load %arg7[%swap3A_321] {strides = array<i32>} : memref<1024xf32, #tpu.memory_space<vmem>>, vector<16xf32>,
    tpu.vector_store %arg7[%swap3A_321], %gather3A_320 {strides = array<i32>} : memref<1024xf32, #tpu.memory_space<vmem>>, vector<16xf32>,
    %get3A_323 = arith.constant 784 : index
    %get3A_324 = tpu.vector_load %arg6[%get3A_323] {strides = array<i32>} : memref<1024xi32, #tpu.memory_space<vmem>>, vector<16xi32>,
    %gather3A_325 = tpu.vector_load_idx %arg5[%get3A_324] : memref<1000xf32, #tpu.memory_space<vmem>>[vector<16xi32>], vector<16xf32>,
    %swap3A_326 = arith.constant 784 : index
    %swap3A_327 = tpu.vector_load %arg7[%swap3A_326] {strides = array<i32>} : memref<1024xf32, #tpu.memory_space<vmem>>, vector<16xf32>,
    tpu.vector_store %arg7[%swap3A_326], %gather3A_325 {strides = array<i32>} : memref<1024xf32, #tpu.memory_space<vmem>>, vector<16xf32>,
    %get3A_328 = arith.constant 800 : index
    %get3A_329 = tpu.vector_load %arg6[%get3A_328] {strides = array<i32>} : memref<1024xi32, #tpu.memory_space<vmem>>, vector<16xi32>,
    %gather3A_330 = tpu.vector_load_idx %arg5[%get3A_329] : memref<1000xf32, #tpu.memory_space<vmem>>[vector<16xi32>], vector<16xf32>,
    %swap3A_331 = arith.constant 800 : index
    %swap3A_332 = tpu.vector_load %arg7[%swap3A_331] {strides = array<i32>} : memref<1024xf32, #tpu.memory_space<vmem>>, vector<16xf32>,
    tpu.vector_store %arg7[%swap3A_331], %gather3A_330 {strides = array<i32>} : memref<1024xf32, #tpu.memory_space<vmem>>, vector<16xf32>,
    %get3A_333 = arith.constant 816 : index
    %get3A_334 = tpu.vector_load %arg6[%get3A_333] {strides = array<i32>} : memref<1024xi32, #tpu.memory_space<vmem>>, vector<16xi32>,
    %gather3A_335 = tpu.vector_load_idx %arg5[%get3A_334] : memref<1000xf32, #tpu.memory_space<vmem>>[vector<16xi32>], vector<16xf32>,
    %swap3A_336 = arith.constant 816 : index
    %swap3A_337 = tpu.vector_load %arg7[%swap3A_336] {strides = array<i32>} : memref<1024xf32, #tpu.memory_space<vmem>>, vector<16xf32>,
    tpu.vector_store %arg7[%swap3A_336], %gather3A_335 {strides = array<i32>} : memref<1024xf32, #tpu.memory_space<vmem>>, vector<16xf32>,
    %get3A_338 = arith.constant 832 : index
    %get3A_339 = tpu.vector_load %arg6[%get3A_338] {strides = array<i32>} : memref<1024xi32, #tpu.memory_space<vmem>>, vector<16xi32>,
    %gather3A_340 = tpu.vector_load_idx %arg5[%get3A_339] : memref<1000xf32, #tpu.memory_space<vmem>>[vector<16xi32>], vector<16xf32>,
    %swap3A_341 = arith.constant 832 : index
    %swap3A_342 = tpu.vector_load %arg7[%swap3A_341] {strides = array<i32>} : memref<1024xf32, #tpu.memory_space<vmem>>, vector<16xf32>,
    tpu.vector_store %arg7[%swap3A_341], %gather3A_340 {strides = array<i32>} : memref<1024xf32, #tpu.memory_space<vmem>>, vector<16xf32>,
    %get3A_343 = arith.constant 848 : index
    %get3A_344 = tpu.vector_load %arg6[%get3A_343] {strides = array<i32>} : memref<1024xi32, #tpu.memory_space<vmem>>, vector<16xi32>,
    %gather3A_345 = tpu.vector_load_idx %arg5[%get3A_344] : memref<1000xf32, #tpu.memory_space<vmem>>[vector<16xi32>], vector<16xf32>,
    %swap3A_346 = arith.constant 848 : index
    %swap3A_347 = tpu.vector_load %arg7[%swap3A_346] {strides = array<i32>} : memref<1024xf32, #tpu.memory_space<vmem>>, vector<16xf32>,
    tpu.vector_store %arg7[%swap3A_346], %gather3A_345 {strides = array<i32>} : memref<1024xf32, #tpu.memory_space<vmem>>, vector<16xf32>,
    %get3A_348 = arith.constant 864 : index
    %get3A_349 = tpu.vector_load %arg6[%get3A_348] {strides = array<i32>} : memref<1024xi32, #tpu.memory_space<vmem>>, vector<16xi32>,
    %gather3A_350 = tpu.vector_load_idx %arg5[%get3A_349] : memref<1000xf32, #tpu.memory_space<vmem>>[vector<16xi32>], vector<16xf32>,
    %swap3A_351 = arith.constant 864 : index
    %swap3A_352 = tpu.vector_load %arg7[%swap3A_351] {strides = array<i32>} : memref<1024xf32, #tpu.memory_space<vmem>>, vector<16xf32>,
    tpu.vector_store %arg7[%swap3A_351], %gather3A_350 {strides = array<i32>} : memref<1024xf32, #tpu.memory_space<vmem>>, vector<16xf32>,
    %get3A_353 = arith.constant 880 : index
    %get3A_354 = tpu.vector_load %arg6[%get3A_353] {strides = array<i32>} : memref<1024xi32, #tpu.memory_space<vmem>>, vector<16xi32>,
    %gather3A_355 = tpu.vector_load_idx %arg5[%get3A_354] : memref<1000xf32, #tpu.memory_space<vmem>>[vector<16xi32>], vector<16xf32>,
    %swap3A_356 = arith.constant 880 : index
    %swap3A_357 = tpu.vector_load %arg7[%swap3A_356] {strides = array<i32>} : memref<1024xf32, #tpu.memory_space<vmem>>, vector<16xf32>,
    tpu.vector_store %arg7[%swap3A_356], %gather3A_355 {strides = array<i32>} : memref<1024xf32, #tpu.memory_space<vmem>>, vector<16xf32>,
    %get3A_358 = arith.constant 896 : index
    %get3A_359 = tpu.vector_load %arg6[%get3A_358] {strides = array<i32>} : memref<1024xi32, #tpu.memory_space<vmem>>, vector<16xi32>,
    %gather3A_360 = tpu.vector_load_idx %arg5[%get3A_359] : memref<1000xf32, #tpu.memory_space<vmem>>[vector<16xi32>], vector<16xf32>,
    %swap3A_361 = arith.constant 896 : index
    %swap3A_362 = tpu.vector_load %arg7[%swap3A_361] {strides = array<i32>} : memref<1024xf32, #tpu.memory_space<vmem>>, vector<16xf32>,
    tpu.vector_store %arg7[%swap3A_361], %gather3A_360 {strides = array<i32>} : memref<1024xf32, #tpu.memory_space<vmem>>, vector<16xf32>,
    %get3A_363 = arith.constant 912 : index
    %get3A_364 = tpu.vector_load %arg6[%get3A_363] {strides = array<i32>} : memref<1024xi32, #tpu.memory_space<vmem>>, vector<16xi32>,
    %gather3A_365 = tpu.vector_load_idx %arg5[%get3A_364] : memref<1000xf32, #tpu.memory_space<vmem>>[vector<16xi32>], vector<16xf32>,
    %swap3A_366 = arith.constant 912 : index
    %swap3A_367 = tpu.vector_load %arg7[%swap3A_366] {strides = array<i32>} : memref<1024xf32, #tpu.memory_space<vmem>>, vector<16xf32>,
    tpu.vector_store %arg7[%swap3A_366], %gather3A_365 {strides = array<i32>} : memref<1024xf32, #tpu.memory_space<vmem>>, vector<16xf32>,
    %get3A_368 = arith.constant 928 : index
    %get3A_369 = tpu.vector_load %arg6[%get3A_368] {strides = array<i32>} : memref<1024xi32, #tpu.memory_space<vmem>>, vector<16xi32>,
    %gather3A_370 = tpu.vector_load_idx %arg5[%get3A_369] : memref<1000xf32, #tpu.memory_space<vmem>>[vector<16xi32>], vector<16xf32>,
    %swap3A_371 = arith.constant 928 : index
    %swap3A_372 = tpu.vector_load %arg7[%swap3A_371] {strides = array<i32>} : memref<1024xf32, #tpu.memory_space<vmem>>, vector<16xf32>,
    tpu.vector_store %arg7[%swap3A_371], %gather3A_370 {strides = array<i32>} : memref<1024xf32, #tpu.memory_space<vmem>>, vector<16xf32>,
    %get3A_373 = arith.constant 944 : index
    %get3A_374 = tpu.vector_load %arg6[%get3A_373] {strides = array<i32>} : memref<1024xi32, #tpu.memory_space<vmem>>, vector<16xi32>,
    %gather3A_375 = tpu.vector_load_idx %arg5[%get3A_374] : memref<1000xf32, #tpu.memory_space<vmem>>[vector<16xi32>], vector<16xf32>,
    %swap3A_376 = arith.constant 944 : index
    %swap3A_377 = tpu.vector_load %arg7[%swap3A_376] {strides = array<i32>} : memref<1024xf32, #tpu.memory_space<vmem>>, vector<16xf32>,
    tpu.vector_store %arg7[%swap3A_376], %gather3A_375 {strides = array<i32>} : memref<1024xf32, #tpu.memory_space<vmem>>, vector<16xf32>,
    %get3A_378 = arith.constant 960 : index
    %get3A_379 = tpu.vector_load %arg6[%get3A_378] {strides = array<i32>} : memref<1024xi32, #tpu.memory_space<vmem>>, vector<16xi32>,
    %gather3A_380 = tpu.vector_load_idx %arg5[%get3A_379] : memref<1000xf32, #tpu.memory_space<vmem>>[vector<16xi32>], vector<16xf32>,
    %swap3A_381 = arith.constant 960 : index
    %swap3A_382 = tpu.vector_load %arg7[%swap3A_381] {strides = array<i32>} : memref<1024xf32, #tpu.memory_space<vmem>>, vector<16xf32>,
    tpu.vector_store %arg7[%swap3A_381], %gather3A_380 {strides = array<i32>} : memref<1024xf32, #tpu.memory_space<vmem>>, vector<16xf32>,
    %get3A_383 = arith.constant 976 : index
    %get3A_384 = tpu.vector_load %arg6[%get3A_383] {strides = array<i32>} : memref<1024xi32, #tpu.memory_space<vmem>>, vector<16xi32>,
    %gather3A_385 = tpu.vector_load_idx %arg5[%get3A_384] : memref<1000xf32, #tpu.memory_space<vmem>>[vector<16xi32>], vector<16xf32>,
    %swap3A_386 = arith.constant 976 : index
    %swap3A_387 = tpu.vector_load %arg7[%swap3A_386] {strides = array<i32>} : memref<1024xf32, #tpu.memory_space<vmem>>, vector<16xf32>,
    tpu.vector_store %arg7[%swap3A_386], %gather3A_385 {strides = array<i32>} : memref<1024xf32, #tpu.memory_space<vmem>>, vector<16xf32>,
    %get3A_388 = arith.constant 992 : index
    %get3A_389 = tpu.vector_load %arg6[%get3A_388] {strides = array<i32>} : memref<1024xi32, #tpu.memory_space<vmem>>, vector<16xi32>,
    %gather3A_390 = tpu.vector_load_idx %arg5[%get3A_389] : memref<1000xf32, #tpu.memory_space<vmem>>[vector<16xi32>], vector<16xf32>,
    %swap3A_391 = arith.constant 992 : index
    %swap3A_392 = tpu.vector_load %arg7[%swap3A_391] {strides = array<i32>} : memref<1024xf32, #tpu.memory_space<vmem>>, vector<16xf32>,
    tpu.vector_store %arg7[%swap3A_391], %gather3A_390 {strides = array<i32>} : memref<1024xf32, #tpu.memory_space<vmem>>, vector<16xf32>,
    %get3A_393 = arith.constant 1008 : index
    %get3A_394 = tpu.vector_load %arg6[%get3A_393] {strides = array<i32>} : memref<1024xi32, #tpu.memory_space<vmem>>, vector<16xi32>,
    %gather3A_395 = tpu.vector_load_idx %arg5[%get3A_394] : memref<1000xf32, #tpu.memory_space<vmem>>[vector<16xi32>], vector<16xf32>,
    %swap3A_396 = arith.constant 1008 : index
    %swap3A_397 = tpu.vector_load %arg7[%swap3A_396] {strides = array<i32>} : memref<1024xf32, #tpu.memory_space<vmem>>, vector<16xf32>,
    tpu.vector_store %arg7[%swap3A_396], %gather3A_395 {strides = array<i32>} : memref<1024xf32, #tpu.memory_space<vmem>>, vector<16xf32>,
    %add3A_398 = arith.constant 768 : i32
    %add3A_399 = arith.addi %mul3A_2, %add3A_398 : i32
    %dma_start3A_400 = arith.constant 768 : i32
    %dma_start3A_401 = tpu.memref_slice %arg7[%dma_start3A_400] : memref<1024xf32, #tpu.memory_space<vmem>> -> memref<256xf32, #tpu.memory_space<vmem>>
    %dma_start3A_402 = tpu.memref_slice %arg4[%add3A_399] : memref<16384xf32, #tpu.memory_space<hbm>> -> memref<256xf32, #tpu.memory_space<hbm>>
    %dma_start3A_403 = tpu.memref_slice %arg4[%add3A_399] : memref<16384xf32, #tpu.memory_space<hbm>> -> memref<256xf32, #tpu.memory_space<hbm>>
    %dma_start3A_404 = arith.constant 768 : i32
    %dma_start3A_405 = tpu.memref_slice %arg7[%dma_start3A_404] : memref<1024xf32, #tpu.memory_space<vmem>> -> memref<256xf32, #tpu.memory_space<vmem>>
    tpu.enqueue_dma source(%dma_start3A_405 : memref<256xf32, #tpu.memory_space<vmem>>) target(%dma_start3A_403 : memref<256xf32, #tpu.memory_space<hbm>>) target_semaphore(%arg13 : memref<!tpu.dma_semaphore, #tpu.memory_space<semaphore_mem>>)
    %dma_wait3A_406 = arith.constant 0 : i32
    %dma_wait3A_407 = tpu.memref_slice %arg7[%dma_wait3A_406] : memref<1024xf32, #tpu.memory_space<vmem>> -> memref<256xf32, #tpu.memory_space<vmem>>
    %dma_wait3A_408 = tpu.memref_slice %arg4[%add3A_117] : memref<16384xf32, #tpu.memory_space<hbm>> -> memref<256xf32, #tpu.memory_space<hbm>>
    %dma_wait3A_409 = tpu.memref_slice %arg4[%add3A_117] : memref<16384xf32, #tpu.memory_space<hbm>> -> memref<256xf32, #tpu.memory_space<hbm>>
    %dma_wait3A_410 = arith.constant 0 : i32
    %dma_wait3A_411 = tpu.memref_slice %arg7[%dma_wait3A_410] : memref<1024xf32, #tpu.memory_space<vmem>> -> memref<256xf32, #tpu.memory_space<vmem>>
    tpu.wait_dma2 semaphore(%arg13 : memref<!tpu.dma_semaphore, #tpu.memory_space<semaphore_mem>>) src(%dma_wait3A_411 : memref<256xf32, #tpu.memory_space<vmem>>) dst(%dma_wait3A_409 : memref<256xf32, #tpu.memory_space<hbm>>)
    %dma_wait3A_412 = arith.constant 256 : i32
    %dma_wait3A_413 = tpu.memref_slice %arg7[%dma_wait3A_412] : memref<1024xf32, #tpu.memory_space<vmem>> -> memref<256xf32, #tpu.memory_space<vmem>>
    %dma_wait3A_414 = tpu.memref_slice %arg4[%add3A_211] : memref<16384xf32, #tpu.memory_space<hbm>> -> memref<256xf32, #tpu.memory_space<hbm>>
    %dma_wait3A_415 = tpu.memref_slice %arg4[%add3A_211] : memref<16384xf32, #tpu.memory_space<hbm>> -> memref<256xf32, #tpu.memory_space<hbm>>
    %dma_wait3A_416 = arith.constant 256 : i32
    %dma_wait3A_417 = tpu.memref_slice %arg7[%dma_wait3A_416] : memref<1024xf32, #tpu.memory_space<vmem>> -> memref<256xf32, #tpu.memory_space<vmem>>
    tpu.wait_dma2 semaphore(%arg13 : memref<!tpu.dma_semaphore, #tpu.memory_space<semaphore_mem>>) src(%dma_wait3A_417 : memref<256xf32, #tpu.memory_space<vmem>>) dst(%dma_wait3A_415 : memref<256xf32, #tpu.memory_space<hbm>>)
    %dma_wait3A_418 = arith.constant 512 : i32
    %dma_wait3A_419 = tpu.memref_slice %arg7[%dma_wait3A_418] : memref<1024xf32, #tpu.memory_space<vmem>> -> memref<256xf32, #tpu.memory_space<vmem>>
    %dma_wait3A_420 = tpu.memref_slice %arg4[%add3A_305] : memref<16384xf32, #tpu.memory_space<hbm>> -> memref<256xf32, #tpu.memory_space<hbm>>
    %dma_wait3A_421 = tpu.memref_slice %arg4[%add3A_305] : memref<16384xf32, #tpu.memory_space<hbm>> -> memref<256xf32, #tpu.memory_space<hbm>>
    %dma_wait3A_422 = arith.constant 512 : i32
    %dma_wait3A_423 = tpu.memref_slice %arg7[%dma_wait3A_422] : memref<1024xf32, #tpu.memory_space<vmem>> -> memref<256xf32, #tpu.memory_space<vmem>>
    tpu.wait_dma2 semaphore(%arg13 : memref<!tpu.dma_semaphore, #tpu.memory_space<semaphore_mem>>) src(%dma_wait3A_423 : memref<256xf32, #tpu.memory_space<vmem>>) dst(%dma_wait3A_421 : memref<256xf32, #tpu.memory_space<hbm>>)
    %dma_wait3A_424 = arith.constant 768 : i32
    %dma_wait3A_425 = tpu.memref_slice %arg7[%dma_wait3A_424] : memref<1024xf32, #tpu.memory_space<vmem>> -> memref<256xf32, #tpu.memory_space<vmem>>
    %dma_wait3A_426 = tpu.memref_slice %arg4[%add3A_399] : memref<16384xf32, #tpu.memory_space<hbm>> -> memref<256xf32, #tpu.memory_space<hbm>>
    %dma_wait3A_427 = tpu.memref_slice %arg4[%add3A_399] : memref<16384xf32, #tpu.memory_space<hbm>> -> memref<256xf32, #tpu.memory_space<hbm>>
    %dma_wait3A_428 = arith.constant 768 : i32
    %dma_wait3A_429 = tpu.memref_slice %arg7[%dma_wait3A_428] : memref<1024xf32, #tpu.memory_space<vmem>> -> memref<256xf32, #tpu.memory_space<vmem>>
    tpu.wait_dma2 semaphore(%arg13 : memref<!tpu.dma_semaphore, #tpu.memory_space<semaphore_mem>>) src(%dma_wait3A_429 : memref<256xf32, #tpu.memory_space<vmem>>) dst(%dma_wait3A_427 : memref<256xf32, #tpu.memory_space<hbm>>)
    return
  }
}

</mosaic_0001>

<sc_bundles>
// kernel: kernel.3.cloned.1.call-start
scs
__scs_entry_jumppad:
0x0: {  	(pc) =	sbr.rel $0x88, $3  }
0x1: {  	(tag) =	ssettag $0x0;
	lr =	simm.s32 $0x1  }
0x2: {  	[smem:$0x3F9F] =	sst lr;
	_ =	strace $0xD0000000  }
0x3: {  	_ = 	snop  }
0x4: {  	_ = 	snop  }
0x5: {  	_ = 	snop  }
0x6: {  	_ = 	snop  }
0x7: {  	_ = 	snop  }
__scs_overlays_trampoline_lowered:
0x8: {  	[smem:$0x3FAE] =	sst s0  }
0x9: {  	[smem:$0x3FAF] =	sst s1  }
0xa: {  	[smem:$0x3FB0] =	sst s2  }
0xb: {  	[smem:$0x3FB1] =	sst s3  }
0xc: {  	[smem:$0x3FB2] =	sst s4  }
0xd: {  	[smem:$0x3FB3] =	sst s5  }
0xe: {  	[smem:$0x3FB4] =	sst s6  }
0xf: {  	[smem:$0x3FB5] =	sst s7  }
0x10: {  	[smem:$0x3FB6] =	sst s8  }
0x11: {  	[smem:$0x3FB7] =	sst s9;
	s0 =	simm.s32 @!p0 $0x0  }
0x12: {  	s1 =	sld [smem:$0x3F9D];
	s0 =	simm.s32 @p0 $0x1  }
0x13: {  	[smem:$0x3FB8] =	sst s0;
	s0 =	simm.s32 @!p1 $0x0  }
0x14: {  	s2 =	sld [smem:$0x3F9C];
	s0 =	simm.s32 @p1 $0x1  }
0x15: {  	[smem:$0x3FB9] =	sst s0;
	s0 =	simm.s32 @!p2 $0x0  }
0x16: {  	s3 =	sld [smem:$0x3FDB];
	s0 =	simm.s32 @p2 $0x1  }
0x17: {  	s4 =	simm.s32 $0x1BF5;
	[smem:$0x3FBB] =	sst s0  }
0x18: {  	s0 =	sld [smem:$0x3F9E];
	_ =	swait.ge [sflag:s4], $0x0  }
0x19: {  	s7 =	sld [smem:$0x3F9F]  }
0x1a: {  	s8 =	sadd.s32 $0xFFFFE003, lr  }
0x1b: {  	s9 =	sadd.s32 $0xFFFFFEF7, lr;
	s5 =	simm.s32 $0xFFFFFFFF;
	p2 =	slt.u32 s8, $0xFFFFF086  }
0x1c: {  	p1 =	slt.u32 s9, $0xF7A;
	s5 =	simm.s32 @!p2 $0x0  }
0x1d: {  	s5 =	simm.s32 @p1 $0x1;
	p0 =	seq.s32 s7, s2  }
0x1e: {  	s7 =	smul.u32 @!p0 $0xF7A, s2;
	p2 =	seq.s32 @!p0 s5, $0x0  }
0x1f: {  	s9 =	smul.u32 $0xF7A, s1;
	s8 =	simm.s32 @!p0 $0x1BF5;
	p2 =	por !p2, p0  }
0x20: {  	[sflag:s8] =	ssyncset.s32 @!p0 $0xFFFFF086;
	s6 =	sadd.s32 @!p0 s3, s7;
	s7 =	simm.s32 @!p0 $0x108  }
0x21: {  	s3 =	sadd.s32 s3, s9;
	s6 =	sadd.s32 @!p0 $0x88, s6;
	s7 =	simm.s32 @p2 $0x1082  }
0x22: {  	[simem:s7], [sflag:s8] =	dma.local @!p0 [hbm:s6], $0xF7A  }
0x23: {  	s9 =	sor.u32 $0xD0000000, s2;
	s6 =	simm.s32 $0x108;
	_ =	swait.ge @!p0 [sflag:s8], $0x0  }
0x24: {  	s3 =	sadd.s32 $0x88, s3;
	s6 =	simm.s32 @!p1 $0x1082;
	[sflag:s4] =	ssyncset.s32 $0xFFFFF086  }
0x25: {  	[simem:s6], [sflag:s4] =	dma.local [hbm:s3], $0xF7A  }
0x26: {  	[smem:$0x3F9F] =	sst s1;
	(tag) =	ssettag s2;
	_ =	strace s9  }
0x27: {  	s1 =	sld [smem:$0x3FAF]  }
0x28: {  	s2 =	sld [smem:$0x3FB0]  }
0x29: {  	s4 =	sld [smem:$0x3FB2]  }
0x2a: {  	p0 =	seq.s32 s5, $0x0;
	s5 =	sld [smem:$0x3FB3]  }
0x2b: {  	s6 =	sld [smem:$0x3FB4]  }
0x2c: {  	s7 =	sld [smem:$0x3FB5]  }
0x2d: {  	s3 =	simm.s32 $0x108;
	s8 =	sld [smem:$0x3FB6]  }
0x2e: {  	s3 =	simm.s32 @!p0 $0x1082;
	s9 =	sld [smem:$0x3FB7]  }
0x2f: {  	lr =	sadd.s32 s0, s3;
	s0 =	sld [smem:$0x3FAE]  }
0x30: {  	s3 =	sld [smem:$0x3FB1]  }
0x31: {  	[smem:$0x3FBA] =	sst s10  }
0x32: {  	s10 =	sld [smem:$0x3FB8];
	_ =	sdelay $0x3  }
0x33: {  	p0 =	seq.s32 s10, $0x1;
	s10 =	sld [smem:$0x3FBA];
	_ =	sdelay $0x3  }
0x34: {  	[smem:$0x3FBA] =	sst s10  }
0x35: {  	s10 =	sld [smem:$0x3FB9];
	_ =	sdelay $0x3  }
0x36: {  	p1 =	seq.s32 s10, $0x1;
	s10 =	sld [smem:$0x3FBA];
	_ =	sdelay $0x3  }
0x37: {  	[smem:$0x3FBA] =	sst s10  }
0x38: {  	s10 =	sld [smem:$0x3FBB]  }
0x39: {  	_ = 	snop;
	(pc) =	sbr.ind lr, $3  }
0x3a: {  	_ = 	snop  }
0x3b: {  	_ = 	snop  }
0x3c: {  	p2 =	seq.s32 s10, $0x1;
	s10 =	sld [smem:$0x3FBA]  }
0x3d: {  	_ =	shalt  }
0x3e: {  	_ =	shalt  }
0x3f: {  	_ =	shalt  }
0x40: {  	_ =	shalt  }
0x41: {  	_ =	shalt  }
0x42: {  	_ =	shalt  }
0x43: {  	_ =	shalt  }
0x44: {  	_ =	shalt  }
0x45: {  	_ =	shalt  }
0x46: {  	_ =	shalt  }
0x47: {  	_ =	shalt  }
0x48: {  	_ =	shalt  }
0x49: {  	_ =	shalt  }
0x4a: {  	_ =	shalt  }
0x4b: {  	_ =	shalt  }
0x4c: {  	_ =	shalt  }
0x4d: {  	_ =	shalt  }
0x4e: {  	_ =	shalt  }
0x4f: {  	_ =	shalt  }
0x50: {  	_ =	shalt  }
0x51: {  	_ =	shalt  }
0x52: {  	_ =	shalt  }
0x53: {  	_ =	shalt  }
0x54: {  	_ =	shalt  }
0x55: {  	_ =	shalt  }
0x56: {  	_ =	shalt  }
0x57: {  	_ =	shalt  }
0x58: {  	_ =	shalt  }
0x59: {  	_ =	shalt  }
0x5a: {  	_ =	shalt  }
0x5b: {  	_ =	shalt  }
0x5c: {  	_ =	shalt  }
0x5d: {  	_ =	shalt  }
0x5e: {  	_ =	shalt  }
0x5f: {  	_ =	shalt  }
0x60: {  	_ =	shalt  }
0x61: {  	_ =	shalt  }
0x62: {  	_ =	shalt  }
0x63: {  	_ =	shalt  }
0x64: {  	_ =	shalt  }
0x65: {  	_ =	shalt  }
0x66: {  	_ =	shalt  }
0x67: {  	_ =	shalt  }
0x68: {  	_ =	shalt  }
0x69: {  	_ =	shalt  }
0x6a: {  	_ =	shalt  }
0x6b: {  	_ =	shalt  }
0x6c: {  	_ =	shalt  }
0x6d: {  	_ =	shalt  }
0x6e: {  	_ =	shalt  }
0x6f: {  	_ =	shalt  }
0x70: {  	_ =	shalt  }
0x71: {  	_ =	shalt  }
0x72: {  	_ =	shalt  }
0x73: {  	_ =	shalt  }
0x74: {  	_ =	shalt  }
0x75: {  	_ =	shalt  }
0x76: {  	_ =	shalt  }
0x77: {  	_ =	shalt  }
0x78: {  	_ =	shalt  }
0x79: {  	_ =	shalt  }
0x7a: {  	_ =	shalt  }
0x7b: {  	_ =	shalt  }
0x7c: {  	_ =	shalt  }
0x7d: {  	_ =	shalt  }
0x7e: {  	_ =	shalt  }
0x7f: {  	_ =	shalt  }
0x80: {  	_ =	shalt  }
0x81: {  	_ =	shalt  }
0x82: {  	_ =	shalt  }
0x83: {  	_ =	shalt  }
0x84: {  	_ =	shalt  }
0x85: {  	_ =	shalt  }
0x86: {  	_ =	shalt  }
0x87: {  	_ =	shalt  }
.Lfunc_end0:
.L_simem_size_0:
called_computation_lowered:
.L_overlay_start_0:
0x88: {  	s0 =	sld [smem:$0x3FD9]  }
0x89: {  	s1 =	sld [smem:$0x3FFE];
	_ =	sdelay $0x3  }
0x8a: {  	s0 =	sadd.s32 s1, s0  }
0x8b: {  	[smem:$0x3FC6] =	sst s0  }
0x8c: {  	_ = 	snop  }
0x8d: {  	s0 =	sld [smem:$0x3FC9]  }
0x8e: {  	s17 =	sld [smem:$0x3FC8]  }
0x8f: {  	s2 =	sld [smem:$0x3FD0];
	(tm) =	ssettm $0x1  }
0x90: {  	s3 =	sld [smem:$0x3FFB];
	_ =	sdelay $0x3  }
0x91: {  	_ =	strace s3  }
0x92: {  	s3 =	sld [smem:$0x3FFC];
	_ =	sdelay $0x3  }
0x93: {  	_ =	strace s3  }
0x94: {  	s3 =	sld [smem:$0x3FFD];
	_ =	sdelay $0x3  }
0x95: {  	_ =	strace s3  }
0x96: {  	_ =	strace $0x8FFFFFFF  }
0x97: {  	s18 =	sld [smem:$0x3FDB];
	_ =	sdelay $0x1  }
0x98: {  	s4 =	simm.s32 $_scs_section_size  }
0x99: {  	s5 =	simm.s32 $_size__tile_overlayer_lowered;
	s6 =	simm.s32 $_tile_overlayer_lowered  }
0x9a: {  	s21 =	simm.s32 $0x1BFF;
	s20 =	sshll.u32 s6, $0x1;
	s3 =	sadd.s32 s4, s18  }
0x9b: {  	s7 =	simm.s32 $0x0;
	s19 =	sshll.u32 s5, $0x1;
	s5 =	sadd.s32 s20, s3  }
0x9c: {  	[timem:s7], [sflag:s21] =	dma.local [hbm:s5], s19  }
0x9d: {  	_ =	swait.ge [sflag:s21], s19  }
0x9e: {  	s4 =	ssub.s32 $0x0, s19;
	[sflag:s21] =	ssyncset.done $0x0  }
0x9f: {  	[sflag:s21] =	ssyncadd.s32 s4;
	_ =	sdelay $0x1  }
0xa0: {  	s22 =	simm.s32 $0x1B8B  }
0xa1: {  	_ =	swait.ge [sflag:s22], $0x1  }
0xa2: {  	[sflag:s22] =	ssyncset.done $0x0  }
0xa3: {  	s23 =	simm.s32 $0x1B8E;
	[sflag:s22] =	ssyncadd.s32 $0xFFFFFFFF  }
0xa4: {  	s24 =	simm.s32 $execute0_lowered;
	[smem:$0x3FD2] =	sst s23  }
0xa5: {  	s4 =	sshll.u32 s24, $0x1;
	_ =	strace $0x80000046;
	[dreg:$0x1] =	wrdreg $0xFFFFFFFF  }
0xa6: {  	s25 =	simm.s32 $_size_execute0_lowered;
	s3 =	sadd.s32 s3, s4;
	[dreg:$0x0] =	wrdreg $0x0  }
0xa7: {  	s4 =	sshll.u32 s25, $0x1;
	[dreg:$0x2] =	wrdreg s3  }
0xa8: {  	[dreg:$0x3] =	wrdreg s4  }
0xa9: {  	[dreg:$0x4] =	wrdreg $0xC0  }
0xaa: {  	_ =	task [dreg:s7], $0x5FFFF  }
0xab: {  	[dreg:$0x1] =	wrdreg $0xFFFFFFFF  }
0xac: {  	[dreg:$0x0] =	wrdreg $0x60  }
0xad: {  	[dreg:$0x2] =	wrdreg s0  }
0xae: {  	[dreg:$0x3] =	wrdreg s17  }
0xaf: {  	[dreg:$0x4] =	wrdreg s2  }
0xb0: {  	[dreg:$0x5] =	wrdreg $0x9  }
0xb1: {  	_ =	task.clear_ibuf [dreg:s7], $0x6FFFF;
	_ =	strace $0x90000046  }
0xb2: {  	s26 =	simm.s32 $0x9;
	_ =	strace $0x80000048  }
0xb3: {  	_ =	swait.ge [sflag:s26], $0x1  }
0xb4: {  	[sflag:s26] =	ssyncadd.s32 $0xFFFFFFFF  }
0xb5: {  	_ =	strace $0x90000048  }
0xb6: {  	_ =	sfence  }
0xb7: {  	s28 =	sld [smem:$0x0];
	_ =	sdelay $0x1  }
0xb8: {  	s29 =	srdreg.scid  }
0xb9: {  	s30 =	sshll.u32 s29, $0xD;
	s31 =	sshrl.u32 s29, $0x2  }
0xba: {  	s1 =	sand.u32 $0x1, s29;
	s2 =	sand.u32 $0x4000, s30;
	s0 =	sadd.s32 s31, s28  }
0xbb: {  	s1 =	sor.u32 s2, s1;
	s0 =	sshll.u32 s0, $0x11  }
0xbc: {  	s0 =	sor.u32 s0, s1  }
0xbd: {  	s0 =	sadd.s32 $0x8F2B, s0  }
0xbe: {  	[sflag:s0] =	ssyncadd.remote.s32 $0x1  }
0xbf: {  	_ =	sfence.sel $0xFFFF  }
0xc0: {  	[dreg:$0x0] =	wrdreg $0xFFFFFFFF;
	(pc) =	sbr.abs _section_cstart, $3  }
0xc1: {  	[dreg:$0x1] =	wrdreg $0xFFFFFFFF  }
0xc2: {  	_ =	task.clear_ibuf [dreg:s7], $0x2FFFF;
	_ =	strace $0x9FFFFFFF  }
0xc3: {  	(tm) =	ssettm $0x7FFFFFFF  }
tec
execute0_lowered:
.L_overlay_start_1:
0x0: {  	(tag) =	ssettag $0x1  }
0x1: {  	s8 =	rddreg [dreg:$0x0]  }
0x2: {  	s4 =	rddreg [dreg:$0x1]  }
0x3: {  	s3 =	rddreg [dreg:$0x2];
	s2 =	simm.s32 $0x0  }
0x4: {  	s1 =	stileid.u32;
	[smem:$0x7FF] =	sst s2  }
0x5: {  	s0 =	rddreg [dreg:$0x3];
	s7 =	sshll.u32 s1, $0x7;
	_ =	strace $0x80000047  }
0x6: {  	[tilespmem:s2], [sflag:$0x1] =	stream.linear.gather [hbm4b:s4+s2], $0x400, $0x38;
	[tilespmem:$0xC00] =	vst v63  }
0x7: {  	s5 =	simm.s32 $0x400;
	s15 =	sadd.s32 s8, s7;
	s6 =	sor.u32 $0x20, s7  }
0x8: {  	[tilespmem:s5], [sflag:$0x2] =	stream.linear.gather [hbm4b:s15+s2], $0x100, $0x38;
	[tilespmem:$0xC00] =	vst v63  }
0x9: {  	s9 =	simm.s32 $0x500;
	s17 =	sor.u32 $0x40, s7;
	s16 =	sadd.s32 s8, s6  }
0xa: {  	[tilespmem:s9], [sflag:$0x3] =	stream.linear.gather [hbm4b:s16+s2], $0x100, $0x38;
	[tilespmem:$0xC00] =	vst v63  }
0xb: {  	s10 =	simm.s32 $0x600;
	s19 =	sor.u32 $0x60, s7;
	s18 =	sadd.s32 s8, s17  }
0xc: {  	[tilespmem:s10], [sflag:$0x4] =	stream.linear.gather [hbm4b:s18+s2], $0x100, $0x38;
	[tilespmem:$0xC00] =	vst v63  }
0xd: {  	s20 =	simm.s32 $0x700;
	s21 =	simm.s32 $0x1;
	s8 =	sadd.s32 s8, s19  }
0xe: {  	[tilespmem:s20], [sflag:$0x5] =	stream.linear.gather [hbm4b:s8+s2], $0x100, $0x38;
	[tilespmem:$0xC00] =	vst v63  }
0xf: {  	_ =	swait.ge [sflag:s21], $0x400  }
0x10: {  	[sflag:s21] =	ssyncset.done $0x0  }
0x11: {  	s22 =	simm.s32 $0x2;
	[sflag:s21] =	ssyncadd.s32 $0xFFFFFC00  }
0x12: {  	_ =	swait.ge [sflag:s22], $0x100  }
0x13: {  	[sflag:s22] =	ssyncset.done $0x0  }
0x14: {  	[sflag:s22] =	ssyncadd.s32 $0xFFFFFF00  }
0x15: {  	v0 =	vld [tilespmem:$0x400];
	_ =	sdelay $0x5  }
0x16: {  	v1 =	vld [tilespmem:$0x410];
	_ =	sdelay $0x1  }
0x17: {  	v0 =	vld.idx.msk [tilespmem:v0+s2+$0x0], $0xffff;
	_ =	sdelay $0x3  }
0x18: {  	v2 =	vld [tilespmem:$0x420]  }
0x19: {  	[tilespmem:$0x800] =	vst v0  }
0x1a: {  	v0 =	vld.idx.msk [tilespmem:v1+s2+$0x0], $0xffff;
	_ =	sdelay $0x3  }
0x1b: {  	v63 =	vld [tilespmem:$0x430]  }
0x1c: {  	[tilespmem:$0x810] =	vst v0  }
0x1d: {  	v0 =	vld.idx.msk [tilespmem:v2+s2+$0x0], $0xffff;
	_ =	sdelay $0x3  }
0x1e: {  	v4 =	vld [tilespmem:$0x440]  }
0x1f: {  	[tilespmem:$0x820] =	vst v0  }
0x20: {  	v0 =	vld.idx.msk [tilespmem:v63+s2+$0x0], $0xffff;
	_ =	sdelay $0x3  }
0x21: {  	v5 =	vld [tilespmem:$0x450]  }
0x22: {  	[tilespmem:$0x830] =	vst v0  }
0x23: {  	v0 =	vld.idx.msk [tilespmem:v4+s2+$0x0], $0xffff;
	_ =	sdelay $0x3  }
0x24: {  	v6 =	vld [tilespmem:$0x460]  }
0x25: {  	[tilespmem:$0x840] =	vst v0  }
0x26: {  	v0 =	vld.idx.msk [tilespmem:v5+s2+$0x0], $0xffff;
	_ =	sdelay $0x3  }
0x27: {  	v7 =	vld [tilespmem:$0x470]  }
0x28: {  	[tilespmem:$0x850] =	vst v0  }
0x29: {  	v0 =	vld.idx.msk [tilespmem:v6+s2+$0x0], $0xffff;
	_ =	sdelay $0x3  }
0x2a: {  	v8 =	vld [tilespmem:$0x480]  }
0x2b: {  	[tilespmem:$0x860] =	vst v0  }
0x2c: {  	v0 =	vld.idx.msk [tilespmem:v7+s2+$0x0], $0xffff;
	_ =	sdelay $0x3  }
0x2d: {  	v9 =	vld [tilespmem:$0x490]  }
0x2e: {  	[tilespmem:$0x870] =	vst v0  }
0x2f: {  	v0 =	vld.idx.msk [tilespmem:v8+s2+$0x0], $0xffff;
	_ =	sdelay $0x3  }
0x30: {  	v10 =	vld [tilespmem:$0x4A0]  }
0x31: {  	[tilespmem:$0x880] =	vst v0  }
0x32: {  	v0 =	vld.idx.msk [tilespmem:v9+s2+$0x0], $0xffff;
	_ =	sdelay $0x3  }
0x33: {  	v11 =	vld [tilespmem:$0x4B0]  }
0x34: {  	[tilespmem:$0x890] =	vst v0  }
0x35: {  	v0 =	vld.idx.msk [tilespmem:v10+s2+$0x0], $0xffff;
	_ =	sdelay $0x3  }
0x36: {  	v12 =	vld [tilespmem:$0x4C0]  }
0x37: {  	[tilespmem:$0x8A0] =	vst v0  }
0x38: {  	v0 =	vld.idx.msk [tilespmem:v11+s2+$0x0], $0xffff;
	_ =	sdelay $0x3  }
0x39: {  	v13 =	vld [tilespmem:$0x4D0]  }
0x3a: {  	[tilespmem:$0x8B0] =	vst v0  }
0x3b: {  	v0 =	vld.idx.msk [tilespmem:v12+s2+$0x0], $0xffff;
	_ =	sdelay $0x3  }
0x3c: {  	v14 =	vld [tilespmem:$0x4E0]  }
0x3d: {  	[tilespmem:$0x8C0] =	vst v0  }
0x3e: {  	v0 =	vld.idx.msk [tilespmem:v13+s2+$0x0], $0xffff;
	_ =	sdelay $0x3  }
0x3f: {  	v15 =	vld [tilespmem:$0x4F0]  }
0x40: {  	[tilespmem:$0x8D0] =	vst v0  }
0x41: {  	v0 =	vld.idx.msk [tilespmem:v14+s2+$0x0], $0xffff;
	_ =	sdelay $0x4  }
0x42: {  	[tilespmem:$0x8E0] =	vst v0  }
0x43: {  	v0 =	vld.idx.msk [tilespmem:v15+s2+$0x0], $0xffff;
	_ =	sdelay $0x4  }
0x44: {  	s23 =	simm.s32 $0x800;
	s24 =	simm.s32 $0x3;
	s7 =	sadd.s32 s3, s7;
	[tilespmem:$0x8F0] =	vst v0  }
0x45: {  	[hbm4b:s7+s2] =	stream.linear.scatter [tilespmem:s23], [sflag:$0x6], $0x100, $0x38;
	[tilespmem:$0xC00] =	vst v63  }
0x46: {  	_ =	swait.ge [sflag:s24], $0x100  }
0x47: {  	[sflag:s24] =	ssyncset.done $0x0  }
0x48: {  	[sflag:s24] =	ssyncadd.s32 $0xFFFFFF00  }
0x49: {  	v16 =	vld [tilespmem:$0x500];
	_ =	sdelay $0x5  }
0x4a: {  	v17 =	vld [tilespmem:$0x510];
	_ =	sdelay $0x1  }
0x4b: {  	v0 =	vld.idx.msk [tilespmem:v16+s2+$0x0], $0xffff;
	_ =	sdelay $0x3  }
0x4c: {  	v18 =	vld [tilespmem:$0x520]  }
0x4d: {  	[tilespmem:$0x900] =	vst v0  }
0x4e: {  	v0 =	vld.idx.msk [tilespmem:v17+s2+$0x0], $0xffff;
	_ =	sdelay $0x3  }
0x4f: {  	v19 =	vld [tilespmem:$0x530]  }
0x50: {  	[tilespmem:$0x910] =	vst v0  }
0x51: {  	v0 =	vld.idx.msk [tilespmem:v18+s2+$0x0], $0xffff;
	_ =	sdelay $0x3  }
0x52: {  	v20 =	vld [tilespmem:$0x540]  }
0x53: {  	[tilespmem:$0x920] =	vst v0  }
0x54: {  	v0 =	vld.idx.msk [tilespmem:v19+s2+$0x0], $0xffff;
	_ =	sdelay $0x3  }
0x55: {  	v21 =	vld [tilespmem:$0x550]  }
0x56: {  	[tilespmem:$0x930] =	vst v0  }
0x57: {  	v0 =	vld.idx.msk [tilespmem:v20+s2+$0x0], $0xffff;
	_ =	sdelay $0x3  }
0x58: {  	v22 =	vld [tilespmem:$0x560]  }
0x59: {  	[tilespmem:$0x940] =	vst v0  }
0x5a: {  	v0 =	vld.idx.msk [tilespmem:v21+s2+$0x0], $0xffff;
	_ =	sdelay $0x3  }
0x5b: {  	v23 =	vld [tilespmem:$0x570]  }
0x5c: {  	[tilespmem:$0x950] =	vst v0  }
0x5d: {  	v0 =	vld.idx.msk [tilespmem:v22+s2+$0x0], $0xffff;
	_ =	sdelay $0x3  }
0x5e: {  	v24 =	vld [tilespmem:$0x580]  }
0x5f: {  	[tilespmem:$0x960] =	vst v0  }
0x60: {  	v0 =	vld.idx.msk [tilespmem:v23+s2+$0x0], $0xffff;
	_ =	sdelay $0x3  }
0x61: {  	v25 =	vld [tilespmem:$0x590]  }
0x62: {  	[tilespmem:$0x970] =	vst v0  }
0x63: {  	v0 =	vld.idx.msk [tilespmem:v24+s2+$0x0], $0xffff;
	_ =	sdelay $0x3  }
0x64: {  	v26 =	vld [tilespmem:$0x5A0]  }
0x65: {  	[tilespmem:$0x980] =	vst v0  }
0x66: {  	v0 =	vld.idx.msk [tilespmem:v25+s2+$0x0], $0xffff;
	_ =	sdelay $0x3  }
0x67: {  	v27 =	vld [tilespmem:$0x5B0]  }
0x68: {  	[tilespmem:$0x990] =	vst v0  }
0x69: {  	v0 =	vld.idx.msk [tilespmem:v26+s2+$0x0], $0xffff;
	_ =	sdelay $0x3  }
0x6a: {  	v28 =	vld [tilespmem:$0x5C0]  }
0x6b: {  	[tilespmem:$0x9A0] =	vst v0  }
0x6c: {  	v0 =	vld.idx.msk [tilespmem:v27+s2+$0x0], $0xffff;
	_ =	sdelay $0x3  }
0x6d: {  	v29 =	vld [tilespmem:$0x5D0]  }
0x6e: {  	[tilespmem:$0x9B0] =	vst v0  }
0x6f: {  	v0 =	vld.idx.msk [tilespmem:v28+s2+$0x0], $0xffff;
	_ =	sdelay $0x3  }
0x70: {  	v30 =	vld [tilespmem:$0x5E0]  }
0x71: {  	[tilespmem:$0x9C0] =	vst v0  }
0x72: {  	v0 =	vld.idx.msk [tilespmem:v29+s2+$0x0], $0xffff;
	_ =	sdelay $0x3  }
0x73: {  	v31 =	vld [tilespmem:$0x5F0]  }
0x74: {  	[tilespmem:$0x9D0] =	vst v0  }
0x75: {  	v0 =	vld.idx.msk [tilespmem:v30+s2+$0x0], $0xffff;
	_ =	sdelay $0x4  }
0x76: {  	[tilespmem:$0x9E0] =	vst v0  }
0x77: {  	v0 =	vld.idx.msk [tilespmem:v31+s2+$0x0], $0xffff;
	_ =	sdelay $0x4  }
0x78: {  	s25 =	simm.s32 $0x900;
	s26 =	simm.s32 $0x4;
	s6 =	sadd.s32 s3, s6;
	[tilespmem:$0x9F0] =	vst v0  }
0x79: {  	[hbm4b:s6+s2] =	stream.linear.scatter [tilespmem:s25], [sflag:$0x6], $0x100, $0x38;
	[tilespmem:$0xC00] =	vst v63  }
0x7a: {  	_ =	swait.ge [sflag:s26], $0x100  }
0x7b: {  	[sflag:s26] =	ssyncset.done $0x0  }
0x7c: {  	[sflag:s26] =	ssyncadd.s32 $0xFFFFFF00  }
0x7d: {  	v32 =	vld [tilespmem:$0x600];
	_ =	sdelay $0x5  }
0x7e: {  	v33 =	vld [tilespmem:$0x610];
	_ =	sdelay $0x1  }
0x7f: {  	v0 =	vld.idx.msk [tilespmem:v32+s2+$0x0], $0xffff;
	_ =	sdelay $0x3  }
0x80: {  	v34 =	vld [tilespmem:$0x620]  }
0x81: {  	[tilespmem:$0xA00] =	vst v0  }
0x82: {  	v0 =	vld.idx.msk [tilespmem:v33+s2+$0x0], $0xffff;
	_ =	sdelay $0x3  }
0x83: {  	v35 =	vld [tilespmem:$0x630]  }
0x84: {  	[tilespmem:$0xA10] =	vst v0  }
0x85: {  	v0 =	vld.idx.msk [tilespmem:v34+s2+$0x0], $0xffff;
	_ =	sdelay $0x3  }
0x86: {  	v36 =	vld [tilespmem:$0x640]  }
0x87: {  	[tilespmem:$0xA20] =	vst v0  }
0x88: {  	v0 =	vld.idx.msk [tilespmem:v35+s2+$0x0], $0xffff;
	_ =	sdelay $0x3  }
0x89: {  	v37 =	vld [tilespmem:$0x650]  }
0x8a: {  	[tilespmem:$0xA30] =	vst v0  }
0x8b: {  	v0 =	vld.idx.msk [tilespmem:v36+s2+$0x0], $0xffff;
	_ =	sdelay $0x3  }
0x8c: {  	v38 =	vld [tilespmem:$0x660]  }
0x8d: {  	[tilespmem:$0xA40] =	vst v0  }
0x8e: {  	v0 =	vld.idx.msk [tilespmem:v37+s2+$0x0], $0xffff;
	_ =	sdelay $0x3  }
0x8f: {  	v39 =	vld [tilespmem:$0x670]  }
0x90: {  	[tilespmem:$0xA50] =	vst v0  }
0x91: {  	v0 =	vld.idx.msk [tilespmem:v38+s2+$0x0], $0xffff;
	_ =	sdelay $0x3  }
0x92: {  	v40 =	vld [tilespmem:$0x680]  }
0x93: {  	[tilespmem:$0xA60] =	vst v0  }
0x94: {  	v0 =	vld.idx.msk [tilespmem:v39+s2+$0x0], $0xffff;
	_ =	sdelay $0x3  }
0x95: {  	v41 =	vld [tilespmem:$0x690]  }
0x96: {  	[tilespmem:$0xA70] =	vst v0  }
0x97: {  	v0 =	vld.idx.msk [tilespmem:v40+s2+$0x0], $0xffff;
	_ =	sdelay $0x3  }
0x98: {  	v42 =	vld [tilespmem:$0x6A0]  }
0x99: {  	[tilespmem:$0xA80] =	vst v0  }
0x9a: {  	v0 =	vld.idx.msk [tilespmem:v41+s2+$0x0], $0xffff;
	_ =	sdelay $0x3  }
0x9b: {  	v43 =	vld [tilespmem:$0x6B0]  }
0x9c: {  	[tilespmem:$0xA90] =	vst v0  }
0x9d: {  	v0 =	vld.idx.msk [tilespmem:v42+s2+$0x0], $0xffff;
	_ =	sdelay $0x3  }
0x9e: {  	v44 =	vld [tilespmem:$0x6C0]  }
0x9f: {  	[tilespmem:$0xAA0] =	vst v0  }
0xa0: {  	v0 =	vld.idx.msk [tilespmem:v43+s2+$0x0], $0xffff;
	_ =	sdelay $0x3  }
0xa1: {  	v45 =	vld [tilespmem:$0x6D0]  }
0xa2: {  	[tilespmem:$0xAB0] =	vst v0  }
0xa3: {  	v0 =	vld.idx.msk [tilespmem:v44+s2+$0x0], $0xffff;
	_ =	sdelay $0x3  }
0xa4: {  	v46 =	vld [tilespmem:$0x6E0]  }
0xa5: {  	[tilespmem:$0xAC0] =	vst v0  }
0xa6: {  	v0 =	vld.idx.msk [tilespmem:v45+s2+$0x0], $0xffff;
	_ =	sdelay $0x3  }
0xa7: {  	v47 =	vld [tilespmem:$0x6F0]  }
0xa8: {  	[tilespmem:$0xAD0] =	vst v0  }
0xa9: {  	v0 =	vld.idx.msk [tilespmem:v46+s2+$0x0], $0xffff;
	_ =	sdelay $0x4  }
0xaa: {  	[tilespmem:$0xAE0] =	vst v0  }
0xab: {  	v0 =	vld.idx.msk [tilespmem:v47+s2+$0x0], $0xffff;
	_ =	sdelay $0x4  }
0xac: {  	s28 =	simm.s32 $0xA00;
	s29 =	simm.s32 $0x5;
	s5 =	sadd.s32 s3, s17;
	[tilespmem:$0xAF0] =	vst v0  }
0xad: {  	[hbm4b:s5+s2] =	stream.linear.scatter [tilespmem:s28], [sflag:$0x6], $0x100, $0x38;
	[tilespmem:$0xC00] =	vst v63  }
0xae: {  	_ =	swait.ge [sflag:s29], $0x100  }
0xaf: {  	[sflag:s29] =	ssyncset.done $0x0  }
0xb0: {  	[sflag:s29] =	ssyncadd.s32 $0xFFFFFF00  }
0xb1: {  	v48 =	vld [tilespmem:$0x700];
	_ =	sdelay $0x5  }
0xb2: {  	v49 =	vld [tilespmem:$0x710];
	_ =	sdelay $0x1  }
0xb3: {  	v0 =	vld.idx.msk [tilespmem:v48+s2+$0x0], $0xffff;
	_ =	sdelay $0x3  }
0xb4: {  	v50 =	vld [tilespmem:$0x720]  }
0xb5: {  	[tilespmem:$0xB00] =	vst v0  }
0xb6: {  	v0 =	vld.idx.msk [tilespmem:v49+s2+$0x0], $0xffff;
	_ =	sdelay $0x3  }
0xb7: {  	v51 =	vld [tilespmem:$0x730]  }
0xb8: {  	[tilespmem:$0xB10] =	vst v0  }
0xb9: {  	v0 =	vld.idx.msk [tilespmem:v50+s2+$0x0], $0xffff;
	_ =	sdelay $0x3  }
0xba: {  	v52 =	vld [tilespmem:$0x740]  }
0xbb: {  	[tilespmem:$0xB20] =	vst v0  }
0xbc: {  	v0 =	vld.idx.msk [tilespmem:v51+s2+$0x0], $0xffff;
	_ =	sdelay $0x3  }
0xbd: {  	v53 =	vld [tilespmem:$0x750]  }
0xbe: {  	[tilespmem:$0xB30] =	vst v0  }
0xbf: {  	v0 =	vld.idx.msk [tilespmem:v52+s2+$0x0], $0xffff;
	_ =	sdelay $0x3  }
0xc0: {  	v54 =	vld [tilespmem:$0x760]  }
0xc1: {  	[tilespmem:$0xB40] =	vst v0  }
0xc2: {  	v0 =	vld.idx.msk [tilespmem:v53+s2+$0x0], $0xffff;
	_ =	sdelay $0x3  }
0xc3: {  	v55 =	vld [tilespmem:$0x770]  }
0xc4: {  	[tilespmem:$0xB50] =	vst v0  }
0xc5: {  	v0 =	vld.idx.msk [tilespmem:v54+s2+$0x0], $0xffff;
	_ =	sdelay $0x3  }
0xc6: {  	v56 =	vld [tilespmem:$0x780]  }
0xc7: {  	[tilespmem:$0xB60] =	vst v0  }
0xc8: {  	v0 =	vld.idx.msk [tilespmem:v55+s2+$0x0], $0xffff;
	_ =	sdelay $0x3  }
0xc9: {  	v57 =	vld [tilespmem:$0x790]  }
0xca: {  	[tilespmem:$0xB70] =	vst v0  }
0xcb: {  	v0 =	vld.idx.msk [tilespmem:v56+s2+$0x0], $0xffff;
	_ =	sdelay $0x3  }
0xcc: {  	v58 =	vld [tilespmem:$0x7A0]  }
0xcd: {  	[tilespmem:$0xB80] =	vst v0  }
0xce: {  	v0 =	vld.idx.msk [tilespmem:v57+s2+$0x0], $0xffff;
	_ =	sdelay $0x3  }
0xcf: {  	v59 =	vld [tilespmem:$0x7B0]  }
0xd0: {  	[tilespmem:$0xB90] =	vst v0  }
0xd1: {  	v0 =	vld.idx.msk [tilespmem:v58+s2+$0x0], $0xffff;
	_ =	sdelay $0x3  }
0xd2: {  	v60 =	vld [tilespmem:$0x7C0]  }
0xd3: {  	[tilespmem:$0xBA0] =	vst v0  }
0xd4: {  	v0 =	vld.idx.msk [tilespmem:v59+s2+$0x0], $0xffff;
	_ =	sdelay $0x3  }
0xd5: {  	v61 =	vld [tilespmem:$0x7D0]  }
0xd6: {  	[tilespmem:$0xBB0] =	vst v0  }
0xd7: {  	v0 =	vld.idx.msk [tilespmem:v60+s2+$0x0], $0xffff;
	_ =	sdelay $0x3  }
0xd8: {  	v62 =	vld [tilespmem:$0x7E0]  }
0xd9: {  	[tilespmem:$0xBC0] =	vst v0  }
0xda: {  	v0 =	vld.idx.msk [tilespmem:v61+s2+$0x0], $0xffff;
	_ =	sdelay $0x3  }
0xdb: {  	v63 =	vld [tilespmem:$0x7F0]  }
0xdc: {  	[tilespmem:$0xBD0] =	vst v0  }
0xdd: {  	v0 =	vld.idx.msk [tilespmem:v62+s2+$0x0], $0xffff;
	_ =	sdelay $0x4  }
0xde: {  	[tilespmem:$0xBE0] =	vst v0  }
0xdf: {  	v0 =	vld.idx.msk [tilespmem:v63+s2+$0x0], $0xffff;
	_ =	sdelay $0x4  }
0xe0: {  	s30 =	simm.s32 $0xB00;
	s31 =	simm.s32 $0x6;
	s3 =	sadd.s32 s3, s19;
	[tilespmem:$0xBF0] =	vst v0  }
0xe1: {  	[hbm4b:s3+s2] =	stream.linear.scatter [tilespmem:s30], [sflag:$0x6], $0x100, $0x38;
	[tilespmem:$0xC00] =	vst v63  }
0xe2: {  	_ =	swait.ge [sflag:s31], $0x100  }
0xe3: {  	[sflag:s31] =	ssyncset.done $0x0  }
0xe4: {  	[sflag:s31] =	ssyncadd.s32 $0xFFFFFF00  }
0xe5: {  	_ =	swait.ge [sflag:s31], $0x100  }
0xe6: {  	[sflag:s31] =	ssyncset.done $0x0  }
0xe7: {  	[sflag:s31] =	ssyncadd.s32 $0xFFFFFF00  }
0xe8: {  	_ =	swait.ge [sflag:s31], $0x100  }
0xe9: {  	[sflag:s31] =	ssyncset.done $0x0  }
0xea: {  	[sflag:s31] =	ssyncadd.s32 $0xFFFFFF00  }
0xeb: {  	_ =	swait.ge [sflag:s31], $0x100  }
0xec: {  	[sflag:s31] =	ssyncset.done $0x0  }
0xed: {  	[sflag:s31] =	ssyncadd.s32 $0xFFFFFF00  }
0xee: {  	_ =	sfence.sel $0x180000  }
0xef: {  	[bflag:$0x0] =	sbarrier.arrive $0xFFFF  }
0xf0: {  	p0 =	sne.s32 s1, $0x0;
	_ =	strace $0x90000047  }
0xf1: {  	s0 =	sadd.s32 @!p0 $0x100000, s0;
	[bflag:$0x2] =	sbarrier.arrive $0xFFFF  }
0xf2: {  	[sflag:s0] =	ssyncadd.tile.s32 @!p0 $0x1;
	_ =	shalt  }
.Lfunc_end2:
_tile_overlayer_lowered:
.L_overlay_start_2:
0xf3: {  	(tag) =	ssettag $0x2  }
0xf4: {  	s0 =	rddreg [dreg:$0x0];
	s2 =	stileid.u32  }
0xf5: {  	s1 =	rddreg [dreg:$0x1];
	p0 =	sne.s32 s2, $0x0  }
0xf6: {  	s3 =	rddreg [dreg:$0x2];
	[bflag:$0x3] =	sbarrier.arrive $0xFFFF;
	s2 =	simm.s32 @!p0 $0x1C07  }
0xf7: {  	[timem:s3], [sflag:s2] =	dma.local @!p0 [hbm:s0], s1  }
0xf8: {  	s0 =	simm.s32 @!p0 $0x7  }
0xf9: {  	_ =	swait.ge @!p0 [sflag:s0], s1  }
0xfa: {  	s1 =	ssub.s32 @!p0 $0x0, s1;
	[sflag:s0] =	ssyncset.done @!p0 $0x0  }
0xfb: {  	[sflag:s0] =	ssyncadd.s32 @!p0 s1  }
0xfc: {  	[bflag:$0x3] =	sbarrier.arrive $0xFFFF  }
0xfd: {  	_ =	shalt  }

</sc_bundles>
